<compile_context>
chip_gen: v7x
topology: tpu7x:2x2x1
jax: 0.10.2.dev20260603
libtpu: 0.0.44.dev20260713+nightly
codegen_flags: <defaults>
</compile_context>

<pallas_src>
import dataclasses
import functools

import jax
import jax.numpy as jnp
from jax import lax
from jax.experimental import pallas as pl
from jax.experimental.pallas import tpu as pltpu
from jax.experimental.pallas import tpu_sc as plsc

N_NODES = 10000
N_EVENTS = 320000
D_FEAT = 128
TIME_DIM = 32
D_EDGE = 16
D_OUT = 2 * D_FEAT + TIME_DIM + D_EDGE

NUM_CORES = 2
NUM_SUBCORES = 16
NUM_LANES = 16
NUM_WORKERS = NUM_CORES * NUM_SUBCORES
EV_PER_WORKER = N_EVENTS // NUM_WORKERS
WIN = 400
N_WIN = EV_PER_WORKER // WIN

_MESH = plsc.VectorSubcoreMesh(core_axis_name="c", subcore_axis_name="s")


def _sc_cp(**kw):
    cp = pltpu.CompilerParams()
    fields = pltpu.CompilerParams.__dataclass_fields__
    return dataclasses.replace(cp, **{k: v for k, v in kw.items() if k in fields})


_UNTILED_CP = _sc_cp(needs_layout_passes=False, use_tc_tiling_on_sc=False)


def _sc_dt(last_update, timestamps, idx):

    @functools.partial(
        pl.kernel,
        out_type=jax.ShapeDtypeStruct((N_EVENTS,), jnp.float32),
        mesh=_MESH,
        scratch_types=[
            pltpu.VMEM((N_NODES,), jnp.float32),
            pltpu.VMEM((EV_PER_WORKER,), jnp.int32),
            pltpu.VMEM((EV_PER_WORKER,), jnp.float32),
            pltpu.VMEM((EV_PER_WORKER,), jnp.float32),
        ],
        compiler_params=_UNTILED_CP,
    )
    def k(lu_hbm, ts_hbm, idx_hbm, dt_hbm, lu_v, idx_v, ts_v, dt_v):
        wid = lax.axis_index("s") * NUM_CORES + lax.axis_index("c")
        base = wid * EV_PER_WORKER
        pltpu.sync_copy(lu_hbm, lu_v)
        pltpu.sync_copy(idx_hbm.at[pl.ds(base, EV_PER_WORKER)], idx_v)
        pltpu.sync_copy(ts_hbm.at[pl.ds(base, EV_PER_WORKER)], ts_v)

        @pl.loop(0, EV_PER_WORKER, step=NUM_LANES)
        def _(i):
            v = idx_v[pl.ds(i, NUM_LANES)]
            t16 = plsc.load_gather(lu_v, [v])
            dt_v[pl.ds(i, NUM_LANES)] = ts_v[pl.ds(i, NUM_LANES)] - t16

        pltpu.sync_copy(dt_v, dt_hbm.at[pl.ds(base, EV_PER_WORKER)])

    return k(last_update, timestamps, idx)


def _sc_feats(events_features, evt):

    @functools.partial(
        pl.kernel,
        out_type=jax.ShapeDtypeStruct((N_EVENTS, D_EDGE), jnp.float32),
        mesh=_MESH,
        scratch_types=[
            pltpu.VMEM((WIN,), jnp.int32),
            pltpu.VMEM((WIN, D_EDGE), jnp.float32),
            pltpu.SemaphoreType.DMA,
        ],
        compiler_params=_UNTILED_CP,
    )
    def k(feat_hbm, evt_hbm, ff_hbm, ei_v, frows_v, sem):
        wid = lax.axis_index("s") * NUM_CORES + lax.axis_index("c")
        base = wid * EV_PER_WORKER

        @pl.loop(0, N_WIN)
        def _(win):
            wbase = base + win * WIN
            pltpu.sync_copy(evt_hbm.at[pl.ds(wbase, WIN)], ei_v)
            pltpu.async_copy(feat_hbm.at[ei_v], frows_v, sem).wait()
            pltpu.sync_copy(frows_v, ff_hbm.at[pl.ds(wbase, WIN), :])

    return k(events_features, evt)


_BTC = 12800


def _delta_body(dt_ref, w_ref, b_ref, o_ref):
    i = pl.program_id(0)
    dtv = dt_ref[pl.ds(i * _BTC, _BTC)].reshape(1, _BTC)
    o_ref[...] = jnp.cos(w_ref[...] * dtv + b_ref[...])


def _tc_delta_t(dt, w_col, b_col):
    return pl.pallas_call(
        _delta_body,
        grid=(N_EVENTS // _BTC,),
        in_specs=[
            pl.BlockSpec((N_EVENTS,), lambda i: (0,)),
            pl.BlockSpec((TIME_DIM, 1), lambda i: (0, 0)),
            pl.BlockSpec((TIME_DIM, 1), lambda i: (0, 0)),
        ],
        out_specs=pl.BlockSpec((TIME_DIM, _BTC), lambda i: (0, i)),
        out_shape=jax.ShapeDtypeStruct((TIME_DIM, N_EVENTS), jnp.float32),
    )(dt, w_col, b_col)


def _sc_assemble(memory, src, dst):

    @functools.partial(
        pl.kernel,
        out_type=jax.ShapeDtypeStruct((N_EVENTS, 2 * D_FEAT), jnp.float32),
        mesh=_MESH,
        scratch_types=[
            pltpu.VMEM((EV_PER_WORKER,), jnp.int32),
            pltpu.VMEM((EV_PER_WORKER,), jnp.int32),
            pltpu.VMEM((WIN, D_FEAT), jnp.float32),
            pltpu.VMEM((WIN, D_FEAT), jnp.float32),
            pltpu.SemaphoreType.DMA,
            pltpu.SemaphoreType.DMA,
        ],
    )
    def k(mem_hbm, src_hbm, dst_hbm, out_hbm,
          src_v, dst_v, buf_a, buf_b, sem_a, sem_b):
        wid = lax.axis_index("s") * NUM_CORES + lax.axis_index("c")
        base = wid * EV_PER_WORKER
        pltpu.sync_copy(src_hbm.at[pl.ds(base, EV_PER_WORKER)], src_v)
        pltpu.sync_copy(dst_hbm.at[pl.ds(base, EV_PER_WORKER)], dst_v)
        pltpu.async_copy(mem_hbm.at[src_v.at[pl.ds(0, WIN)]], buf_a, sem_a)

        @pl.loop(0, N_WIN)
        def _(win):
            wb = base + win * WIN
            pltpu.async_copy(
                mem_hbm.at[dst_v.at[pl.ds(win * WIN, WIN)]], buf_b, sem_b)
            pltpu.make_async_copy(
                mem_hbm.at[src_v.at[pl.ds(0, WIN)]], buf_a, sem_a).wait()
            pltpu.sync_copy(buf_a, out_hbm.at[pl.ds(wb, WIN), pl.ds(0, D_FEAT)])

            @pl.when(win + 1 < N_WIN)
            def _():
                pltpu.async_copy(
                    mem_hbm.at[src_v.at[pl.ds((win + 1) * WIN, WIN)]],
                    buf_a, sem_a)

            pltpu.make_async_copy(
                mem_hbm.at[dst_v.at[pl.ds(0, WIN)]], buf_b, sem_b).wait()
            pltpu.sync_copy(
                buf_b, out_hbm.at[pl.ds(wb, WIN), pl.ds(D_FEAT, D_FEAT)])

    return k(memory, src, dst)


def kernel(memory, last_update, events_features, time_w, time_b, timestamps,
           src_nodes, dst_nodes, event_indices, idx):
    dt = _sc_dt(last_update, timestamps, idx.astype(jnp.int32))
    ff = _sc_feats(events_features, event_indices.astype(jnp.int32))
    delta_t = _tc_delta_t(
        dt, time_w.reshape(TIME_DIM, 1), time_b.reshape(TIME_DIM, 1))
    out256 = _sc_assemble(
        memory, src_nodes.astype(jnp.int32), dst_nodes.astype(jnp.int32))
    return jnp.concatenate([out256, delta_t.T, ff], axis=1)

# --- scband reference (transcript-rebuilt; emitter-appended) ---
"""Pipeline reference for scband-embedder-message-function-55997783605364 (READ-ONLY COPY).

The authoritative reference and input builder live on the scoring server;
editing this copy changes nothing except your own understanding.
"""

import jax, jax.numpy as jnp
import numpy as np

N_NODES = 10000
N_EVENTS = 320000
D_FEAT = 128
TIME_DIM = 32
D_EDGE = 16


def setup_inputs(seed: int = 0) -> dict:
    key = jax.random.key(seed)
    ks = jax.random.split(key, 10)
    return {
        "memory": jax.random.normal(ks[0], (N_NODES, D_FEAT), dtype=jnp.float32),
        "last_update": jax.random.uniform(ks[1], (N_NODES,), dtype=jnp.float32),
        "events_features": jax.random.normal(ks[2], (N_EVENTS, D_EDGE), dtype=jnp.float32),
        "time_w": jax.random.normal(ks[3], (TIME_DIM,), dtype=jnp.float32),
        "time_b": jax.random.normal(ks[4], (TIME_DIM,), dtype=jnp.float32),
        "timestamps": jax.random.uniform(ks[5], (N_EVENTS,), dtype=jnp.float32),
        "src_nodes": jax.random.randint(ks[6], (N_EVENTS,), 0, N_NODES),
        "dst_nodes": jax.random.randint(ks[7], (N_EVENTS,), 0, N_NODES),
        "event_indices": jax.random.randint(ks[8], (N_EVENTS,), 0, N_EVENTS),
        "idx": jax.random.randint(ks[9], (N_EVENTS,), 0, N_NODES),
    }


def reference(memory, last_update, events_features, time_w, time_b, timestamps,
              src_nodes, dst_nodes, event_indices, idx):
    # e_idx = torch.cat([events.src_nodes, events.dst_nodes])
    e_idx = jnp.concatenate([src_nodes, dst_nodes], axis=0)
    # e_t = events.timestamps.repeat(2)  (unused by identity embedder, kept for faithfulness)
    e_t = jnp.tile(timestamps, 2)
    # embeds = self.embedder(state, e_idx, rank=0, t=e_t)
    # identity embedder (TGN 'id' embedding module): node memory lookup
    embeds = jnp.take(memory, e_idx, axis=0)
    # e_src, e_dst = torch.chunk(embeds, 2, dim=0)
    e_src, e_dst = jnp.split(embeds, 2, axis=0)
    # rank == 0 -> t = state.n_memory.last_update[idx]
    t = jnp.take(last_update, idx, axis=0)
    # delta_t = self.time_encoder(events.timestamps - t)  (cos time encoding)
    dt = timestamps - t
    delta_t = jnp.cos(dt[:, None] * time_w[None, :] + time_b[None, :])
    # features = state.events_features[events.indices]
    features = jnp.take(events_features, event_indices, axis=0)
    # msg = torch.cat([e_src, e_dst, delta_t, features], dim=-1); mlp = Identity
    msg = jnp.concatenate([e_src, e_dst, delta_t, features], axis=-1)
    return msg

if __name__ == "__main__":
    import jax
    _d = setup_inputs()
    print(jax.jit(kernel)(*tuple(_d.values())))

</pallas_src>

<mosaic_0001>
#map = affine_map<(d0, d1) -> (0)>
module attributes {stable_mosaic.version = 14 : i64} {
  func.func @k(%arg0: i32, %arg1: i32, %arg2: memref<10000xf32, #tpu.memory_space<hbm>>, %arg3: memref<320000xf32, #tpu.memory_space<hbm>>, %arg4: memref<320000xi32, #tpu.memory_space<hbm>>, %arg5: memref<320000xf32, #tpu.memory_space<hbm>>, %arg6: memref<10000xf32, #tpu.memory_space<vmem>>, %arg7: memref<10000xi32, #tpu.memory_space<vmem>>, %arg8: memref<10000xf32, #tpu.memory_space<vmem>>, %arg9: memref<10000xf32, #tpu.memory_space<vmem>>) attributes {dimension_semantics = [#tpu.dimension_semantics<core_parallel>, #tpu.dimension_semantics<subcore_parallel>], iteration_bounds = array<i64: 2, 16>, scalar_prefetch = 0 : i64, scratch_operands = 4 : i64, tpu.core_type = #tpu.core_type<sc_vector_subcore>, window_params = [{transform_indices = #map}, {transform_indices = #map}, {transform_indices = #map}, {transform_indices = #map}]} {
    %mul3A = arith.constant 2 : i32
    %mul3A_0 = arith.muli %arg1, %mul3A : i32
    %add3A = arith.addi %mul3A_0, %arg0 : i32
    %mul3A_1 = arith.constant 10000 : i32
    %mul3A_2 = arith.muli %add3A, %mul3A_1 : i32
    "tpu.region"() ({
      %run_scoped3A = tpu.sem_alloc : memref<!tpu.dma_semaphore, #tpu.memory_space<semaphore_mem>>
      tpu.enqueue_dma source(%arg2 : memref<10000xf32, #tpu.memory_space<hbm>>) target(%arg6 : memref<10000xf32, #tpu.memory_space<vmem>>) target_semaphore(%run_scoped3A : memref<!tpu.dma_semaphore, #tpu.memory_space<semaphore_mem>>)
      tpu.wait_dma2 semaphore(%run_scoped3A : memref<!tpu.dma_semaphore, #tpu.memory_space<semaphore_mem>>) src(%arg2 : memref<10000xf32, #tpu.memory_space<hbm>>) dst(%arg6 : memref<10000xf32, #tpu.memory_space<vmem>>)
      tpu.yield
    }) : () -> ()
    "tpu.region"() ({
      %run_scoped3A = tpu.sem_alloc : memref<!tpu.dma_semaphore, #tpu.memory_space<semaphore_mem>>
      %dma_start3A = tpu.memref_slice %arg4[%mul3A_2] : memref<320000xi32, #tpu.memory_space<hbm>> -> memref<10000xi32, #tpu.memory_space<hbm>>
      %dma_start3A_7 = tpu.memref_slice %arg4[%mul3A_2] : memref<320000xi32, #tpu.memory_space<hbm>> -> memref<10000xi32, #tpu.memory_space<hbm>>
      tpu.enqueue_dma source(%dma_start3A_7 : memref<10000xi32, #tpu.memory_space<hbm>>) target(%arg7 : memref<10000xi32, #tpu.memory_space<vmem>>) target_semaphore(%run_scoped3A : memref<!tpu.dma_semaphore, #tpu.memory_space<semaphore_mem>>)
      %dma_wait3A = tpu.memref_slice %arg4[%mul3A_2] : memref<320000xi32, #tpu.memory_space<hbm>> -> memref<10000xi32, #tpu.memory_space<hbm>>
      %dma_wait3A_8 = tpu.memref_slice %arg4[%mul3A_2] : memref<320000xi32, #tpu.memory_space<hbm>> -> memref<10000xi32, #tpu.memory_space<hbm>>
      tpu.wait_dma2 semaphore(%run_scoped3A : memref<!tpu.dma_semaphore, #tpu.memory_space<semaphore_mem>>) src(%dma_wait3A_8 : memref<10000xi32, #tpu.memory_space<hbm>>) dst(%arg7 : memref<10000xi32, #tpu.memory_space<vmem>>)
      tpu.yield
    }) : () -> ()
    "tpu.region"() ({
      %run_scoped3A = tpu.sem_alloc : memref<!tpu.dma_semaphore, #tpu.memory_space<semaphore_mem>>
      %dma_start3A = tpu.memref_slice %arg3[%mul3A_2] : memref<320000xf32, #tpu.memory_space<hbm>> -> memref<10000xf32, #tpu.memory_space<hbm>>
      %dma_start3A_7 = tpu.memref_slice %arg3[%mul3A_2] : memref<320000xf32, #tpu.memory_space<hbm>> -> memref<10000xf32, #tpu.memory_space<hbm>>
      tpu.enqueue_dma source(%dma_start3A_7 : memref<10000xf32, #tpu.memory_space<hbm>>) target(%arg8 : memref<10000xf32, #tpu.memory_space<vmem>>) target_semaphore(%run_scoped3A : memref<!tpu.dma_semaphore, #tpu.memory_space<semaphore_mem>>)
      %dma_wait3A = tpu.memref_slice %arg3[%mul3A_2] : memref<320000xf32, #tpu.memory_space<hbm>> -> memref<10000xf32, #tpu.memory_space<hbm>>
      %dma_wait3A_8 = tpu.memref_slice %arg3[%mul3A_2] : memref<320000xf32, #tpu.memory_space<hbm>> -> memref<10000xf32, #tpu.memory_space<hbm>>
      tpu.wait_dma2 semaphore(%run_scoped3A : memref<!tpu.dma_semaphore, #tpu.memory_space<semaphore_mem>>) src(%dma_wait3A_8 : memref<10000xf32, #tpu.memory_space<hbm>>) dst(%arg8 : memref<10000xf32, #tpu.memory_space<vmem>>)
      tpu.yield
    }) : () -> ()
    %scan3A = arith.constant 0 : i32
    %scan3A_3 = arith.constant 625 : i32
    %scan3A_4 = arith.addi %scan3A, %scan3A_3 : i32
    %scan3A_5 = arith.constant 1 : i32
    scf.for %scan3A_7 = %scan3A to %scan3A_4 step %scan3A_5  : i32 {
      %mul3A_8 = arith.constant 16 : i32
      %mul3A_9 = arith.muli %scan3A_7, %mul3A_8 : i32
      %add3A_10 = arith.constant 0 : i32
      %add3A_11 = arith.addi %add3A_10, %mul3A_9 : i32
      %get3A = arith.index_cast %add3A_11 : i32 to index
      %get3A_12 = tpu.vector_load %arg7[%get3A] {strides = array<i32>} : memref<10000xi32, #tpu.memory_space<vmem>>, vector<16xi32>,
      %gather3A = tpu.vector_load_idx %arg6[%get3A_12] : memref<10000xf32, #tpu.memory_space<vmem>>[vector<16xi32>], vector<16xf32>,
      %get3A_13 = arith.index_cast %add3A_11 : i32 to index
      %get3A_14 = tpu.vector_load %arg8[%get3A_13] {strides = array<i32>} : memref<10000xf32, #tpu.memory_space<vmem>>, vector<16xf32>,
      %sub3A = arith.subf %get3A_14, %gather3A : vector<16xf32>
      %swap3A = arith.index_cast %add3A_11 : i32 to index
      %swap3A_15 = tpu.vector_load %arg9[%swap3A] {strides = array<i32>} : memref<10000xf32, #tpu.memory_space<vmem>>, vector<16xf32>,
      tpu.vector_store %arg9[%swap3A], %sub3A {strides = array<i32>} : memref<10000xf32, #tpu.memory_space<vmem>>, vector<16xf32>,
    }
    %scan3A_6 = arith.constant 625 : i32
    "tpu.region"() ({
      %run_scoped3A = tpu.sem_alloc : memref<!tpu.dma_semaphore, #tpu.memory_space<semaphore_mem>>
      %dma_start3A = tpu.memref_slice %arg5[%mul3A_2] : memref<320000xf32, #tpu.memory_space<hbm>> -> memref<10000xf32, #tpu.memory_space<hbm>>
      %dma_start3A_7 = tpu.memref_slice %arg5[%mul3A_2] : memref<320000xf32, #tpu.memory_space<hbm>> -> memref<10000xf32, #tpu.memory_space<hbm>>
      tpu.enqueue_dma source(%arg9 : memref<10000xf32, #tpu.memory_space<vmem>>) target(%dma_start3A_7 : memref<10000xf32, #tpu.memory_space<hbm>>) target_semaphore(%run_scoped3A : memref<!tpu.dma_semaphore, #tpu.memory_space<semaphore_mem>>)
      %dma_wait3A = tpu.memref_slice %arg5[%mul3A_2] : memref<320000xf32, #tpu.memory_space<hbm>> -> memref<10000xf32, #tpu.memory_space<hbm>>
      %dma_wait3A_8 = tpu.memref_slice %arg5[%mul3A_2] : memref<320000xf32, #tpu.memory_space<hbm>> -> memref<10000xf32, #tpu.memory_space<hbm>>
      tpu.wait_dma2 semaphore(%run_scoped3A : memref<!tpu.dma_semaphore, #tpu.memory_space<semaphore_mem>>) src(%arg9 : memref<10000xf32, #tpu.memory_space<vmem>>) dst(%dma_wait3A_8 : memref<10000xf32, #tpu.memory_space<hbm>>)
      tpu.yield
    }) : () -> ()
    return
  }
}

#map = affine_map<(d0, d1) -> (0, 0)>
#map1 = affine_map<(d0, d1) -> (0)>
module attributes {stable_mosaic.version = 14 : i64} {
  func.func @k(%arg0: i32, %arg1: i32, %arg2: memref<10000x128xf32, #tpu.memory_space<hbm>>, %arg3: memref<320000xi32, #tpu.memory_space<hbm>>, %arg4: memref<320000xi32, #tpu.memory_space<hbm>>, %arg5: memref<320000x256xf32, #tpu.memory_space<hbm>>, %arg6: memref<10000xi32, #tpu.memory_space<vmem>>, %arg7: memref<10000xi32, #tpu.memory_space<vmem>>, %arg8: memref<400x128xf32, #tpu.memory_space<vmem>>, %arg9: memref<400x128xf32, #tpu.memory_space<vmem>>, %arg10: memref<!tpu.dma_semaphore, #tpu.memory_space<semaphore_mem>>, %arg11: memref<!tpu.dma_semaphore, #tpu.memory_space<semaphore_mem>>) attributes {dimension_semantics = [#tpu.dimension_semantics<core_parallel>, #tpu.dimension_semantics<subcore_parallel>], iteration_bounds = array<i64: 2, 16>, scalar_prefetch = 0 : i64, scratch_operands = 6 : i64, tpu.core_type = #tpu.core_type<sc_vector_subcore>, window_params = [{transform_indices = #map}, {transform_indices = #map1}, {transform_indices = #map1}, {transform_indices = #map}]} {
    %mul3A = arith.constant 2 : i32
    %mul3A_0 = arith.muli %arg1, %mul3A : i32
    %add3A = arith.addi %mul3A_0, %arg0 : i32
    %mul3A_1 = arith.constant 10000 : i32
    %mul3A_2 = arith.muli %add3A, %mul3A_1 : i32
    "tpu.region"() ({
      %run_scoped3A = tpu.sem_alloc : memref<!tpu.dma_semaphore, #tpu.memory_space<semaphore_mem>>
      %dma_start3A_11 = tpu.memref_slice %arg3[%mul3A_2] : memref<320000xi32, #tpu.memory_space<hbm>> -> memref<10000xi32, #tpu.memory_space<hbm>>
      %dma_start3A_12 = tpu.memref_slice %arg3[%mul3A_2] : memref<320000xi32, #tpu.memory_space<hbm>> -> memref<10000xi32, #tpu.memory_space<hbm>>
      tpu.enqueue_dma source(%dma_start3A_12 : memref<10000xi32, #tpu.memory_space<hbm>>) target(%arg6 : memref<10000xi32, #tpu.memory_space<vmem>>) target_semaphore(%run_scoped3A : memref<!tpu.dma_semaphore, #tpu.memory_space<semaphore_mem>>)
      %dma_wait3A = tpu.memref_slice %arg3[%mul3A_2] : memref<320000xi32, #tpu.memory_space<hbm>> -> memref<10000xi32, #tpu.memory_space<hbm>>
      %dma_wait3A_13 = tpu.memref_slice %arg3[%mul3A_2] : memref<320000xi32, #tpu.memory_space<hbm>> -> memref<10000xi32, #tpu.memory_space<hbm>>
      tpu.wait_dma2 semaphore(%run_scoped3A : memref<!tpu.dma_semaphore, #tpu.memory_space<semaphore_mem>>) src(%dma_wait3A_13 : memref<10000xi32, #tpu.memory_space<hbm>>) dst(%arg6 : memref<10000xi32, #tpu.memory_space<vmem>>)
      tpu.yield
    }) : () -> ()
    "tpu.region"() ({
      %run_scoped3A = tpu.sem_alloc : memref<!tpu.dma_semaphore, #tpu.memory_space<semaphore_mem>>
      %dma_start3A_11 = tpu.memref_slice %arg4[%mul3A_2] : memref<320000xi32, #tpu.memory_space<hbm>> -> memref<10000xi32, #tpu.memory_space<hbm>>
      %dma_start3A_12 = tpu.memref_slice %arg4[%mul3A_2] : memref<320000xi32, #tpu.memory_space<hbm>> -> memref<10000xi32, #tpu.memory_space<hbm>>
      tpu.enqueue_dma source(%dma_start3A_12 : memref<10000xi32, #tpu.memory_space<hbm>>) target(%arg7 : memref<10000xi32, #tpu.memory_space<vmem>>) target_semaphore(%run_scoped3A : memref<!tpu.dma_semaphore, #tpu.memory_space<semaphore_mem>>)
      %dma_wait3A = tpu.memref_slice %arg4[%mul3A_2] : memref<320000xi32, #tpu.memory_space<hbm>> -> memref<10000xi32, #tpu.memory_space<hbm>>
      %dma_wait3A_13 = tpu.memref_slice %arg4[%mul3A_2] : memref<320000xi32, #tpu.memory_space<hbm>> -> memref<10000xi32, #tpu.memory_space<hbm>>
      tpu.wait_dma2 semaphore(%run_scoped3A : memref<!tpu.dma_semaphore, #tpu.memory_space<semaphore_mem>>) src(%dma_wait3A_13 : memref<10000xi32, #tpu.memory_space<hbm>>) dst(%arg7 : memref<10000xi32, #tpu.memory_space<vmem>>)
      tpu.yield
    }) : () -> ()
    %dma_start3A = arith.constant 0 : i32
    %dma_start3A_3 = tpu.memref_slice %arg6[%dma_start3A] : memref<10000xi32, #tpu.memory_space<vmem>> -> memref<400xi32, #tpu.memory_space<vmem>>
    %dma_start3A_4 = arith.constant 0 : i32
    %dma_start3A_5 = arith.constant 0 : i32
    %dma_start3A_6 = tpu.memref_slice %arg2[%dma_start3A_4, %dma_start3A_5] : memref<10000x128xf32, #tpu.memory_space<hbm>> -> memref<10000x128xf32, #tpu.memory_space<hbm>>
    tpu.enqueue_indirect_dma source(%dma_start3A_6 : memref<10000x128xf32, #tpu.memory_space<hbm>>) target(%arg8 : memref<400x128xf32, #tpu.memory_space<vmem>>) offsets(%dma_start3A_3 : memref<400xi32, #tpu.memory_space<vmem>>) semaphore(%arg10 : memref<!tpu.dma_semaphore, #tpu.memory_space<semaphore_mem>>)
    %scan3A = arith.constant 0 : i32
    %scan3A_7 = arith.constant 25 : i32
    %scan3A_8 = arith.addi %scan3A, %scan3A_7 : i32
    %scan3A_9 = arith.constant 1 : i32
    scf.for %scan3A_11 = %scan3A to %scan3A_8 step %scan3A_9  : i32 {
      %mul3A_12 = arith.constant 1 : i32
      %mul3A_13 = arith.muli %scan3A_11, %mul3A_12 : i32
      %add3A_14 = arith.constant 0 : i32
      %add3A_15 = arith.addi %add3A_14, %mul3A_13 : i32
      %mul3A_16 = arith.constant 400 : i32
      %mul3A_17 = arith.muli %add3A_15, %mul3A_16 : i32
      %add3A_18 = arith.addi %mul3A_2, %mul3A_17 : i32
      %mul3A_19 = arith.constant 400 : i32
      %mul3A_20 = arith.muli %add3A_15, %mul3A_19 : i32
      %dma_start3A_21 = tpu.memref_slice %arg7[%mul3A_20] : memref<10000xi32, #tpu.memory_space<vmem>> -> memref<400xi32, #tpu.memory_space<vmem>>
      %dma_start3A_22 = arith.constant 0 : i32
      %dma_start3A_23 = arith.constant 0 : i32
      %dma_start3A_24 = tpu.memref_slice %arg2[%dma_start3A_22, %dma_start3A_23] : memref<10000x128xf32, #tpu.memory_space<hbm>> -> memref<10000x128xf32, #tpu.memory_space<hbm>>
      tpu.enqueue_indirect_dma source(%dma_start3A_24 : memref<10000x128xf32, #tpu.memory_space<hbm>>) target(%arg9 : memref<400x128xf32, #tpu.memory_space<vmem>>) offsets(%dma_start3A_21 : memref<400xi32, #tpu.memory_space<vmem>>) semaphore(%arg11 : memref<!tpu.dma_semaphore, #tpu.memory_space<semaphore_mem>>)
      %dma_wait3A = arith.constant 0 : i32
      %dma_wait3A_25 = tpu.memref_slice %arg6[%dma_wait3A] : memref<10000xi32, #tpu.memory_space<vmem>> -> memref<400xi32, #tpu.memory_space<vmem>>
      %dma_wait3A_26 = arith.constant 0 : i32
      %dma_wait3A_27 = arith.constant 0 : i32
      %dma_wait3A_28 = tpu.memref_slice %arg2[%dma_wait3A_26, %dma_wait3A_27] : memref<10000x128xf32, #tpu.memory_space<hbm>> -> memref<10000x128xf32, #tpu.memory_space<hbm>>
      tpu.wait_indirect_dma semaphore(%arg10 : memref<!tpu.dma_semaphore, #tpu.memory_space<semaphore_mem>>) src(%dma_wait3A_28 : memref<10000x128xf32, #tpu.memory_space<hbm>>) dst(%arg8 : memref<400x128xf32, #tpu.memory_space<vmem>>)
      "tpu.region"() ({
        %run_scoped3A = tpu.sem_alloc : memref<!tpu.dma_semaphore, #tpu.memory_space<semaphore_mem>>
        %dma_start3A_38 = arith.constant 0 : i32
        %dma_start3A_39 = tpu.memref_slice %arg5[%add3A_18, %dma_start3A_38] : memref<320000x256xf32, #tpu.memory_space<hbm>> -> memref<400x128xf32, #tpu.memory_space<hbm>>
        %dma_start3A_40 = arith.constant 0 : i32
        %dma_start3A_41 = tpu.memref_slice %arg5[%add3A_18, %dma_start3A_40] : memref<320000x256xf32, #tpu.memory_space<hbm>> -> memref<400x128xf32, #tpu.memory_space<hbm>>
        tpu.enqueue_dma source(%arg8 : memref<400x128xf32, #tpu.memory_space<vmem>>) target(%dma_start3A_41 : memref<400x128xf32, #tpu.memory_space<hbm>>) target_semaphore(%run_scoped3A : memref<!tpu.dma_semaphore, #tpu.memory_space<semaphore_mem>>)
        %dma_wait3A_42 = arith.constant 0 : i32
        %dma_wait3A_43 = tpu.memref_slice %arg5[%add3A_18, %dma_wait3A_42] : memref<320000x256xf32, #tpu.memory_space<hbm>> -> memref<400x128xf32, #tpu.memory_space<hbm>>
        %dma_wait3A_44 = arith.constant 0 : i32
        %dma_wait3A_45 = tpu.memref_slice %arg5[%add3A_18, %dma_wait3A_44] : memref<320000x256xf32, #tpu.memory_space<hbm>> -> memref<400x128xf32, #tpu.memory_space<hbm>>
        tpu.wait_dma2 semaphore(%run_scoped3A : memref<!tpu.dma_semaphore, #tpu.memory_space<semaphore_mem>>) src(%arg8 : memref<400x128xf32, #tpu.memory_space<vmem>>) dst(%dma_wait3A_45 : memref<400x128xf32, #tpu.memory_space<hbm>>)
        tpu.yield
      }) : () -> ()
      %add3A_29 = arith.constant 1 : i32
      %add3A_30 = arith.addi %add3A_15, %add3A_29 : i32
      %lt3A = arith.constant 25 : i32
      %lt3A_31 = arith.cmpi slt, %add3A_30, %lt3A : i32
      %convert_element_type3A = arith.extui %lt3A_31 : i1 to i32
      %cond3A = arith.constant 0 : i32
      %cond3A_32 = arith.cmpi ne, %convert_element_type3A, %cond3A : i32
      scf.if %cond3A_32 {
        %add3A_38 = arith.constant 1 : i32
        %add3A_39 = arith.addi %add3A_15, %add3A_38 : i32
        %mul3A_40 = arith.constant 400 : i32
        %mul3A_41 = arith.muli %add3A_39, %mul3A_40 : i32
        %dma_start3A_42 = tpu.memref_slice %arg6[%mul3A_41] : memref<10000xi32, #tpu.memory_space<vmem>> -> memref<400xi32, #tpu.memory_space<vmem>>
        %dma_start3A_43 = arith.constant 0 : i32
        %dma_start3A_44 = arith.constant 0 : i32
        %dma_start3A_45 = tpu.memref_slice %arg2[%dma_start3A_43, %dma_start3A_44] : memref<10000x128xf32, #tpu.memory_space<hbm>> -> memref<10000x128xf32, #tpu.memory_space<hbm>>
        tpu.enqueue_indirect_dma source(%dma_start3A_45 : memref<10000x128xf32, #tpu.memory_space<hbm>>) target(%arg8 : memref<400x128xf32, #tpu.memory_space<vmem>>) offsets(%dma_start3A_42 : memref<400xi32, #tpu.memory_space<vmem>>) semaphore(%arg10 : memref<!tpu.dma_semaphore, #tpu.memory_space<semaphore_mem>>)
      } else {
      }
      %dma_wait3A_33 = arith.constant 0 : i32
      %dma_wait3A_34 = tpu.memref_slice %arg7[%dma_wait3A_33] : memref<10000xi32, #tpu.memory_space<vmem>> -> memref<400xi32, #tpu.memory_space<vmem>>
      %dma_wait3A_35 = arith.constant 0 : i32
      %dma_wait3A_36 = arith.constant 0 : i32
      %dma_wait3A_37 = tpu.memref_slice %arg2[%dma_wait3A_35, %dma_wait3A_36] : memref<10000x128xf32, #tpu.memory_space<hbm>> -> memref<10000x128xf32, #tpu.memory_space<hbm>>
      tpu.wait_indirect_dma semaphore(%arg11 : memref<!tpu.dma_semaphore, #tpu.memory_space<semaphore_mem>>) src(%dma_wait3A_37 : memref<10000x128xf32, #tpu.memory_space<hbm>>) dst(%arg9 : memref<400x128xf32, #tpu.memory_space<vmem>>)
      "tpu.region"() ({
        %run_scoped3A = tpu.sem_alloc : memref<!tpu.dma_semaphore, #tpu.memory_space<semaphore_mem>>
        %dma_start3A_38 = arith.constant 128 : i32
        %dma_start3A_39 = tpu.memref_slice %arg5[%add3A_18, %dma_start3A_38] : memref<320000x256xf32, #tpu.memory_space<hbm>> -> memref<400x128xf32, #tpu.memory_space<hbm>>
        %dma_start3A_40 = arith.constant 128 : i32
        %dma_start3A_41 = tpu.memref_slice %arg5[%add3A_18, %dma_start3A_40] : memref<320000x256xf32, #tpu.memory_space<hbm>> -> memref<400x128xf32, #tpu.memory_space<hbm>>
        tpu.enqueue_dma source(%arg9 : memref<400x128xf32, #tpu.memory_space<vmem>>) target(%dma_start3A_41 : memref<400x128xf32, #tpu.memory_space<hbm>>) target_semaphore(%run_scoped3A : memref<!tpu.dma_semaphore, #tpu.memory_space<semaphore_mem>>)
        %dma_wait3A_42 = arith.constant 128 : i32
        %dma_wait3A_43 = tpu.memref_slice %arg5[%add3A_18, %dma_wait3A_42] : memref<320000x256xf32, #tpu.memory_space<hbm>> -> memref<400x128xf32, #tpu.memory_space<hbm>>
        %dma_wait3A_44 = arith.constant 128 : i32
        %dma_wait3A_45 = tpu.memref_slice %arg5[%add3A_18, %dma_wait3A_44] : memref<320000x256xf32, #tpu.memory_space<hbm>> -> memref<400x128xf32, #tpu.memory_space<hbm>>
        tpu.wait_dma2 semaphore(%run_scoped3A : memref<!tpu.dma_semaphore, #tpu.memory_space<semaphore_mem>>) src(%arg9 : memref<400x128xf32, #tpu.memory_space<vmem>>) dst(%dma_wait3A_45 : memref<400x128xf32, #tpu.memory_space<hbm>>)
        tpu.yield
      }) : () -> ()
    }
    %scan3A_10 = arith.constant 25 : i32
    return
  }
}

#map = affine_map<(d0, d1) -> (0, 0)>
#map1 = affine_map<(d0, d1) -> (0)>
module attributes {stable_mosaic.version = 14 : i64} {
  func.func @k(%arg0: i32, %arg1: i32, %arg2: memref<320000x16xf32, #tpu.memory_space<hbm>>, %arg3: memref<320000xi32, #tpu.memory_space<hbm>>, %arg4: memref<320000x16xf32, #tpu.memory_space<hbm>>, %arg5: memref<400xi32, #tpu.memory_space<vmem>>, %arg6: memref<400x16xf32, #tpu.memory_space<vmem>>, %arg7: memref<!tpu.dma_semaphore, #tpu.memory_space<semaphore_mem>>) attributes {dimension_semantics = [#tpu.dimension_semantics<core_parallel>, #tpu.dimension_semantics<subcore_parallel>], iteration_bounds = array<i64: 2, 16>, scalar_prefetch = 0 : i64, scratch_operands = 3 : i64, tpu.core_type = #tpu.core_type<sc_vector_subcore>, window_params = [{transform_indices = #map}, {transform_indices = #map1}, {transform_indices = #map}]} {
    %mul3A = arith.constant 2 : i32
    %mul3A_0 = arith.muli %arg1, %mul3A : i32
    %add3A = arith.addi %mul3A_0, %arg0 : i32
    %mul3A_1 = arith.constant 10000 : i32
    %mul3A_2 = arith.muli %add3A, %mul3A_1 : i32
    %scan3A = arith.constant 0 : i32
    %scan3A_3 = arith.constant 25 : i32
    %scan3A_4 = arith.addi %scan3A, %scan3A_3 : i32
    %scan3A_5 = arith.constant 1 : i32
    scf.for %scan3A_7 = %scan3A to %scan3A_4 step %scan3A_5  : i32 {
      %mul3A_8 = arith.constant 1 : i32
      %mul3A_9 = arith.muli %scan3A_7, %mul3A_8 : i32
      %add3A_10 = arith.constant 0 : i32
      %add3A_11 = arith.addi %add3A_10, %mul3A_9 : i32
      %mul3A_12 = arith.constant 400 : i32
      %mul3A_13 = arith.muli %add3A_11, %mul3A_12 : i32
      %add3A_14 = arith.addi %mul3A_2, %mul3A_13 : i32
      "tpu.region"() ({
        %run_scoped3A = tpu.sem_alloc : memref<!tpu.dma_semaphore, #tpu.memory_space<semaphore_mem>>
        %dma_start3A_19 = tpu.memref_slice %arg3[%add3A_14] : memref<320000xi32, #tpu.memory_space<hbm>> -> memref<400xi32, #tpu.memory_space<hbm>>
        %dma_start3A_20 = tpu.memref_slice %arg3[%add3A_14] : memref<320000xi32, #tpu.memory_space<hbm>> -> memref<400xi32, #tpu.memory_space<hbm>>
        tpu.enqueue_dma source(%dma_start3A_20 : memref<400xi32, #tpu.memory_space<hbm>>) target(%arg5 : memref<400xi32, #tpu.memory_space<vmem>>) target_semaphore(%run_scoped3A : memref<!tpu.dma_semaphore, #tpu.memory_space<semaphore_mem>>)
        %dma_wait3A_21 = tpu.memref_slice %arg3[%add3A_14] : memref<320000xi32, #tpu.memory_space<hbm>> -> memref<400xi32, #tpu.memory_space<hbm>>
        %dma_wait3A_22 = tpu.memref_slice %arg3[%add3A_14] : memref<320000xi32, #tpu.memory_space<hbm>> -> memref<400xi32, #tpu.memory_space<hbm>>
        tpu.wait_dma2 semaphore(%run_scoped3A : memref<!tpu.dma_semaphore, #tpu.memory_space<semaphore_mem>>) src(%dma_wait3A_22 : memref<400xi32, #tpu.memory_space<hbm>>) dst(%arg5 : memref<400xi32, #tpu.memory_space<vmem>>)
        tpu.yield
      }) : () -> ()
      %dma_start3A = arith.constant 0 : i32
      %dma_start3A_15 = arith.constant 0 : i32
      %dma_start3A_16 = tpu.memref_slice %arg2[%dma_start3A, %dma_start3A_15] : memref<320000x16xf32, #tpu.memory_space<hbm>> -> memref<320000x16xf32, #tpu.memory_space<hbm>>
      tpu.enqueue_indirect_dma source(%dma_start3A_16 : memref<320000x16xf32, #tpu.memory_space<hbm>>) target(%arg6 : memref<400x16xf32, #tpu.memory_space<vmem>>) offsets(%arg5 : memref<400xi32, #tpu.memory_space<vmem>>) semaphore(%arg7 : memref<!tpu.dma_semaphore, #tpu.memory_space<semaphore_mem>>)
      %dma_wait3A = arith.constant 0 : i32
      %dma_wait3A_17 = arith.constant 0 : i32
      %dma_wait3A_18 = tpu.memref_slice %arg2[%dma_wait3A, %dma_wait3A_17] : memref<320000x16xf32, #tpu.memory_space<hbm>> -> memref<320000x16xf32, #tpu.memory_space<hbm>>
      tpu.wait_indirect_dma semaphore(%arg7 : memref<!tpu.dma_semaphore, #tpu.memory_space<semaphore_mem>>) src(%dma_wait3A_18 : memref<320000x16xf32, #tpu.memory_space<hbm>>) dst(%arg6 : memref<400x16xf32, #tpu.memory_space<vmem>>)
      "tpu.region"() ({
        %run_scoped3A = tpu.sem_alloc : memref<!tpu.dma_semaphore, #tpu.memory_space<semaphore_mem>>
        %dma_start3A_19 = arith.constant 0 : i32
        %dma_start3A_20 = tpu.memref_slice %arg4[%add3A_14, %dma_start3A_19] : memref<320000x16xf32, #tpu.memory_space<hbm>> -> memref<400x16xf32, #tpu.memory_space<hbm>>
        %dma_start3A_21 = arith.constant 0 : i32
        %dma_start3A_22 = tpu.memref_slice %arg4[%add3A_14, %dma_start3A_21] : memref<320000x16xf32, #tpu.memory_space<hbm>> -> memref<400x16xf32, #tpu.memory_space<hbm>>
        tpu.enqueue_dma source(%arg6 : memref<400x16xf32, #tpu.memory_space<vmem>>) target(%dma_start3A_22 : memref<400x16xf32, #tpu.memory_space<hbm>>) target_semaphore(%run_scoped3A : memref<!tpu.dma_semaphore, #tpu.memory_space<semaphore_mem>>)
        %dma_wait3A_23 = arith.constant 0 : i32
        %dma_wait3A_24 = tpu.memref_slice %arg4[%add3A_14, %dma_wait3A_23] : memref<320000x16xf32, #tpu.memory_space<hbm>> -> memref<400x16xf32, #tpu.memory_space<hbm>>
        %dma_wait3A_25 = arith.constant 0 : i32
        %dma_wait3A_26 = tpu.memref_slice %arg4[%add3A_14, %dma_wait3A_25] : memref<320000x16xf32, #tpu.memory_space<hbm>> -> memref<400x16xf32, #tpu.memory_space<hbm>>
        tpu.wait_dma2 semaphore(%run_scoped3A : memref<!tpu.dma_semaphore, #tpu.memory_space<semaphore_mem>>) src(%arg6 : memref<400x16xf32, #tpu.memory_space<vmem>>) dst(%dma_wait3A_26 : memref<400x16xf32, #tpu.memory_space<hbm>>)
        tpu.yield
      }) : () -> ()
    }
    %scan3A_6 = arith.constant 25 : i32
    return
  }
}

module attributes {stable_mosaic.version = 14 : i64} {
  func.func @_delta_body(%arg0: i32, %arg1: memref<320000xf32, #tpu.memory_space<vmem>>, %arg2: memref<32x1xf32, #tpu.memory_space<vmem>>, %arg3: memref<32x1xf32, #tpu.memory_space<vmem>>, %arg4: memref<32x12800xf32, #tpu.memory_space<vmem>>) attributes {dimension_semantics = [#tpu.dimension_semantics<arbitrary>], iteration_bounds = array<i64: 25>, scalar_prefetch = 0 : i64, scratch_operands = 0 : i64, tpu.core_type = #tpu.core_type<tc>, window_params = [{pipeline_mode = #tpu.pipeline_mode<synchronous>, transform_indices = @transform_0, window_bounds = array<i64: 320000>}, {pipeline_mode = #tpu.pipeline_mode<synchronous>, transform_indices = @transform_1, window_bounds = array<i64: 32, 1>}, {pipeline_mode = #tpu.pipeline_mode<synchronous>, transform_indices = @transform_2, window_bounds = array<i64: 32, 1>}, {transform_indices = @transform_3, window_bounds = array<i64: 32, 12800>}]} {
    %mul3A = arith.constant 12800 : i32
    %mul3A_0 = arith.muli %arg0, %mul3A : i32
    %get3A = arith.index_cast %mul3A_0 : i32 to index
    %get3A_1 = vector.load %arg1[%get3A] : memref<320000xf32, #tpu.memory_space<vmem>>, vector<12800xf32>
    %reshape3A = vector.shape_cast %get3A_1 : vector<12800xf32> to vector<1x12800xf32>
    %get3A_2 = arith.constant 0 : index
    %get3A_3 = arith.constant 0 : index
    %get3A_4 = vector.load %arg2[%get3A_2, %get3A_3] : memref<32x1xf32, #tpu.memory_space<vmem>>, vector<32x1xf32>
    %mul3A_5 = vector.broadcast %get3A_4 : vector<32x1xf32> to vector<32x12800xf32>
    %mul3A_6 = vector.broadcast %reshape3A : vector<1x12800xf32> to vector<32x12800xf32>
    %mul3A_7 = arith.mulf %mul3A_5, %mul3A_6 : vector<32x12800xf32>
    %get3A_8 = arith.constant 0 : index
    %get3A_9 = arith.constant 0 : index
    %get3A_10 = vector.load %arg3[%get3A_8, %get3A_9] : memref<32x1xf32, #tpu.memory_space<vmem>>, vector<32x1xf32>
    %add3A = vector.broadcast %get3A_10 : vector<32x1xf32> to vector<32x12800xf32>
    %add3A_11 = arith.addf %mul3A_7, %add3A : vector<32x12800xf32>
    %cos3A = math.cos %add3A_11 : vector<32x12800xf32>
    %swap3A = arith.constant 0 : index
    %swap3A_12 = arith.constant 0 : index
    %swap3A_13 = vector.load %arg4[%swap3A, %swap3A_12] : memref<32x12800xf32, #tpu.memory_space<vmem>>, vector<32x12800xf32>
    tpu.vector_store %arg4[%swap3A, %swap3A_12], %cos3A {strides = array<i32>} : memref<32x12800xf32, #tpu.memory_space<vmem>>, vector<32x12800xf32>,
    return
  }
  func.func @transform_0(%arg0: i32) -> i32 {
    %c0_i32 = arith.constant 0 : i32
    %c0_i32_0 = arith.constant 0 : i32
    return %c0_i32 : i32
  }
  func.func @transform_1(%arg0: i32) -> (i32, i32) {
    %c0_i32 = arith.constant 0 : i32
    %c0_i32_0 = arith.constant 0 : i32
    %c0_i32_1 = arith.constant 0 : i32
    return %c0_i32, %c0_i32_0 : i32, i32
  }
  func.func @transform_2(%arg0: i32) -> (i32, i32) {
    %c0_i32 = arith.constant 0 : i32
    %c0_i32_0 = arith.constant 0 : i32
    %c0_i32_1 = arith.constant 0 : i32
    return %c0_i32, %c0_i32_0 : i32, i32
  }
  func.func @transform_3(%arg0: i32) -> (i32, i32) {
    %c0_i32 = arith.constant 0 : i32
    %c0_i32_0 = arith.constant 0 : i32
    return %c0_i32, %arg0 : i32, i32
  }
}

</mosaic_0001>

<sc_bundles>
// kernel: kernel.12.cloned.1.call-start
scs
__scs_entry_jumppad:
0x0: {  	(pc) =	sbr.rel $0x88, $3  }
0x1: {  	(tag) =	ssettag $0x0;
	lr =	simm.s32 $0x1  }
0x2: {  	[smem:$0x3F97] =	sst lr;
	_ =	strace $0xD0000000  }
0x3: {  	_ = 	snop  }
0x4: {  	_ = 	snop  }
0x5: {  	_ = 	snop  }
0x6: {  	_ = 	snop  }
0x7: {  	_ = 	snop  }
__scs_overlays_trampoline_lowered:
0x8: {  	[smem:$0x3FA6] =	sst s0  }
0x9: {  	[smem:$0x3FA7] =	sst s1  }
0xa: {  	[smem:$0x3FA8] =	sst s2  }
0xb: {  	[smem:$0x3FA9] =	sst s3  }
0xc: {  	[smem:$0x3FAA] =	sst s4  }
0xd: {  	[smem:$0x3FAB] =	sst s5  }
0xe: {  	[smem:$0x3FAC] =	sst s6  }
0xf: {  	[smem:$0x3FAD] =	sst s7  }
0x10: {  	[smem:$0x3FAE] =	sst s8  }
0x11: {  	[smem:$0x3FAF] =	sst s9;
	s0 =	simm.s32 @!p0 $0x0  }
0x12: {  	s1 =	sld [smem:$0x3F95];
	s0 =	simm.s32 @p0 $0x1  }
0x13: {  	[smem:$0x3FB0] =	sst s0;
	s0 =	simm.s32 @!p1 $0x0  }
0x14: {  	s2 =	sld [smem:$0x3F94];
	s0 =	simm.s32 @p1 $0x1  }
0x15: {  	[smem:$0x3FB1] =	sst s0;
	s0 =	simm.s32 @!p2 $0x0  }
0x16: {  	s3 =	sld [smem:$0x3FDB];
	s0 =	simm.s32 @p2 $0x1  }
0x17: {  	s4 =	simm.s32 $0x1BF5;
	[smem:$0x3FB3] =	sst s0  }
0x18: {  	s0 =	sld [smem:$0x3F96];
	_ =	swait.ge [sflag:s4], $0x0  }
0x19: {  	s7 =	sld [smem:$0x3F97]  }
0x1a: {  	s8 =	sadd.s32 $0xFFFFE003, lr  }
0x1b: {  	s9 =	sadd.s32 $0xFFFFFEF7, lr;
	s5 =	simm.s32 $0xFFFFFFFF;
	p2 =	slt.u32 s8, $0xFFFFF086  }
0x1c: {  	p1 =	slt.u32 s9, $0xF7A;
	s5 =	simm.s32 @!p2 $0x0  }
0x1d: {  	s5 =	simm.s32 @p1 $0x1;
	p0 =	seq.s32 s7, s2  }
0x1e: {  	s7 =	smul.u32 @!p0 $0xF7A, s2;
	p2 =	seq.s32 @!p0 s5, $0x0  }
0x1f: {  	s9 =	smul.u32 $0xF7A, s1;
	s8 =	simm.s32 @!p0 $0x1BF5;
	p2 =	por !p2, p0  }
0x20: {  	[sflag:s8] =	ssyncset.s32 @!p0 $0xFFFFF086;
	s6 =	sadd.s32 @!p0 s3, s7;
	s7 =	simm.s32 @!p0 $0x108  }
0x21: {  	s3 =	sadd.s32 s3, s9;
	s6 =	sadd.s32 @!p0 $0x88, s6;
	s7 =	simm.s32 @p2 $0x1082  }
0x22: {  	[simem:s7], [sflag:s8] =	dma.local @!p0 [hbm:s6], $0xF7A  }
0x23: {  	s9 =	sor.u32 $0xD0000000, s2;
	s6 =	simm.s32 $0x108;
	_ =	swait.ge @!p0 [sflag:s8], $0x0  }
0x24: {  	s3 =	sadd.s32 $0x88, s3;
	s6 =	simm.s32 @!p1 $0x1082;
	[sflag:s4] =	ssyncset.s32 $0xFFFFF086  }
0x25: {  	[simem:s6], [sflag:s4] =	dma.local [hbm:s3], $0xF7A  }
0x26: {  	[smem:$0x3F97] =	sst s1;
	(tag) =	ssettag s2;
	_ =	strace s9  }
0x27: {  	s1 =	sld [smem:$0x3FA7]  }
0x28: {  	s2 =	sld [smem:$0x3FA8]  }
0x29: {  	s4 =	sld [smem:$0x3FAA]  }
0x2a: {  	p0 =	seq.s32 s5, $0x0;
	s5 =	sld [smem:$0x3FAB]  }
0x2b: {  	s6 =	sld [smem:$0x3FAC]  }
0x2c: {  	s7 =	sld [smem:$0x3FAD]  }
0x2d: {  	s3 =	simm.s32 $0x108;
	s8 =	sld [smem:$0x3FAE]  }
0x2e: {  	s3 =	simm.s32 @!p0 $0x1082;
	s9 =	sld [smem:$0x3FAF]  }
0x2f: {  	lr =	sadd.s32 s0, s3;
	s0 =	sld [smem:$0x3FA6]  }
0x30: {  	s3 =	sld [smem:$0x3FA9]  }
0x31: {  	[smem:$0x3FB2] =	sst s10  }
0x32: {  	s10 =	sld [smem:$0x3FB0];
	_ =	sdelay $0x3  }
0x33: {  	p0 =	seq.s32 s10, $0x1;
	s10 =	sld [smem:$0x3FB2];
	_ =	sdelay $0x3  }
0x34: {  	[smem:$0x3FB2] =	sst s10  }
0x35: {  	s10 =	sld [smem:$0x3FB1];
	_ =	sdelay $0x3  }
0x36: {  	p1 =	seq.s32 s10, $0x1;
	s10 =	sld [smem:$0x3FB2];
	_ =	sdelay $0x3  }
0x37: {  	[smem:$0x3FB2] =	sst s10  }
0x38: {  	s10 =	sld [smem:$0x3FB3]  }
0x39: {  	_ = 	snop;
	(pc) =	sbr.ind lr, $3  }
0x3a: {  	_ = 	snop  }
0x3b: {  	_ = 	snop  }
0x3c: {  	p2 =	seq.s32 s10, $0x1;
	s10 =	sld [smem:$0x3FB2]  }
0x3d: {  	_ =	shalt  }
0x3e: {  	_ =	shalt  }
0x3f: {  	_ =	shalt  }
0x40: {  	_ =	shalt  }
0x41: {  	_ =	shalt  }
0x42: {  	_ =	shalt  }
0x43: {  	_ =	shalt  }
0x44: {  	_ =	shalt  }
0x45: {  	_ =	shalt  }
0x46: {  	_ =	shalt  }
0x47: {  	_ =	shalt  }
0x48: {  	_ =	shalt  }
0x49: {  	_ =	shalt  }
0x4a: {  	_ =	shalt  }
0x4b: {  	_ =	shalt  }
0x4c: {  	_ =	shalt  }
0x4d: {  	_ =	shalt  }
0x4e: {  	_ =	shalt  }
0x4f: {  	_ =	shalt  }
0x50: {  	_ =	shalt  }
0x51: {  	_ =	shalt  }
0x52: {  	_ =	shalt  }
0x53: {  	_ =	shalt  }
0x54: {  	_ =	shalt  }
0x55: {  	_ =	shalt  }
0x56: {  	_ =	shalt  }
0x57: {  	_ =	shalt  }
0x58: {  	_ =	shalt  }
0x59: {  	_ =	shalt  }
0x5a: {  	_ =	shalt  }
0x5b: {  	_ =	shalt  }
0x5c: {  	_ =	shalt  }
0x5d: {  	_ =	shalt  }
0x5e: {  	_ =	shalt  }
0x5f: {  	_ =	shalt  }
0x60: {  	_ =	shalt  }
0x61: {  	_ =	shalt  }
0x62: {  	_ =	shalt  }
0x63: {  	_ =	shalt  }
0x64: {  	_ =	shalt  }
0x65: {  	_ =	shalt  }
0x66: {  	_ =	shalt  }
0x67: {  	_ =	shalt  }
0x68: {  	_ =	shalt  }
0x69: {  	_ =	shalt  }
0x6a: {  	_ =	shalt  }
0x6b: {  	_ =	shalt  }
0x6c: {  	_ =	shalt  }
0x6d: {  	_ =	shalt  }
0x6e: {  	_ =	shalt  }
0x6f: {  	_ =	shalt  }
0x70: {  	_ =	shalt  }
0x71: {  	_ =	shalt  }
0x72: {  	_ =	shalt  }
0x73: {  	_ =	shalt  }
0x74: {  	_ =	shalt  }
0x75: {  	_ =	shalt  }
0x76: {  	_ =	shalt  }
0x77: {  	_ =	shalt  }
0x78: {  	_ =	shalt  }
0x79: {  	_ =	shalt  }
0x7a: {  	_ =	shalt  }
0x7b: {  	_ =	shalt  }
0x7c: {  	_ =	shalt  }
0x7d: {  	_ =	shalt  }
0x7e: {  	_ =	shalt  }
0x7f: {  	_ =	shalt  }
0x80: {  	_ =	shalt  }
0x81: {  	_ =	shalt  }
0x82: {  	_ =	shalt  }
0x83: {  	_ =	shalt  }
0x84: {  	_ =	shalt  }
0x85: {  	_ =	shalt  }
0x86: {  	_ =	shalt  }
0x87: {  	_ =	shalt  }
.Lfunc_end0:
.L_simem_size_0:
called_computation.4_lowered:
.L_overlay_start_0:
0x88: {  	s2 =	sld [smem:$0x3FD9]  }
0x89: {  	s3 =	sld [smem:$0x3FFE];
	_ =	sdelay $0x1  }
0x8a: {  	s1 =	srdreg.scid  }
0x8b: {  	s0 =	sand.u32 $0x1, s1  }
0x8c: {  	s18 =	sshll.u32 s0, $0xA;
	s2 =	sadd.s32 s3, s2  }
0x8d: {  	s2 =	sadd.s32 s2, s18  }
0x8e: {  	[smem:$0x3FBE] =	sst s2  }
0x8f: {  	_ = 	snop  }
0x90: {  	s19 =	sld [smem:$0x3FC9]  }
0x91: {  	s4 =	sld [smem:$0x3FC3]  }
0x92: {  	s5 =	sld [smem:$0x3FC2]  }
0x93: {  	s6 =	sld [smem:$0x3FD0];
	(tm) =	ssettm $0x1  }
0x94: {  	s20 =	sld [smem:$0x3FFB];
	_ =	sdelay $0x3  }
0x95: {  	_ =	strace s20  }
0x96: {  	s2 =	sld [smem:$0x3FFC];
	_ =	sdelay $0x3  }
0x97: {  	_ =	strace s2  }
0x98: {  	s2 =	sld [smem:$0x3FFD];
	_ =	sdelay $0x3  }
0x99: {  	_ =	strace s2  }
0x9a: {  	_ =	strace $0x8FFFFFFF  }
0x9b: {  	s21 =	sld [smem:$0x3FDB];
	_ =	sdelay $0x1  }
0x9c: {  	s7 =	simm.s32 $_scs_section_size  }
0x9d: {  	s8 =	simm.s32 $_size__tile_overlayer_lowered;
	s9 =	simm.s32 $_tile_overlayer_lowered  }
0x9e: {  	s10 =	simm.s32 $0x1BFF;
	s22 =	sshll.u32 s9, $0x1;
	s7 =	sadd.s32 s7, s21  }
0x9f: {  	s23 =	simm.s32 $0x0;
	s8 =	sshll.u32 s8, $0x1;
	s9 =	sadd.s32 s22, s7  }
0xa0: {  	[timem:s23], [sflag:s10] =	dma.local [hbm:s9], s8  }
0xa1: {  	_ =	swait.ge [sflag:s10], s8  }
0xa2: {  	s8 =	ssub.s32 $0x0, s8;
	[sflag:s10] =	ssyncset.done $0x0  }
0xa3: {  	[sflag:s10] =	ssyncadd.s32 s8;
	_ =	sdelay $0x1  }
0xa4: {  	s24 =	simm.s32 $0x1B8B  }
0xa5: {  	_ =	swait.ge [sflag:s24], $0x1  }
0xa6: {  	[sflag:s24] =	ssyncset.done $0x0  }
0xa7: {  	[sflag:s24] =	ssyncadd.s32 $0xFFFFFFFF  }
0xa8: {  	s8 =	sld [smem:$0x0]  }
0xa9: {  	s9 =	sand.u32 $0xFFFFFFFE, s1  }
0xaa: {  	p0 =	sne.s32 s1, s9  }
0xab: {  	s9 =	sshll.u32 @p0 s9, $0xE  }
0xac: {  	s9 =	sadd.s32 @p0 $0x11B8D, s9;
	s10 =	sshll.u32 @p0 s8, $0x11  }
0xad: {  	s9 =	sor.u32 @p0 s10, s9  }
0xae: {  	[sflag:s9] =	ssyncadd.remote.s32 @p0 $0x1;
	_ =	sdelay $0x1  }
0xaf: {  	s9 =	simm.s32 @p0 $0x1B8D  }
0xb0: {  	_ =	swait.eq @p0 [sflag:s9], $0x1  }
0xb1: {  	[sflag:s9] =	ssyncadd.s32 @p0 $0xFFFFFFFF  }
0xb2: {  	s10 =	sshll.u32 @!p0 s1, $0xE  }
0xb3: {  	s10 =	sor.u32 @!p0 $0x4000, s10;
	s9 =	simm.s32 @!p0 $0x1B8D  }
0xb4: {  	s8 =	sshll.u32 @!p0 s8, $0x11;
	s10 =	sadd.s32 @!p0 $0x11B8D, s10;
	_ =	swait.eq @!p0 [sflag:s9], $0x1  }
0xb5: {  	s8 =	sor.u32 @!p0 s8, s10;
	[sflag:s9] =	ssyncadd.s32 @!p0 $0xFFFFFFFF  }
0xb6: {  	s25 =	simm.s32 $0x1B8E;
	[sflag:s8] =	ssyncadd.remote.s32 @!p0 $0x1  }
0xb7: {  	s26 =	simm.s32 $execute0_lowered;
	[smem:$0x3FD2] =	sst s25  }
0xb8: {  	s8 =	sshll.u32 s26, $0x1;
	_ =	strace $0x8000004C;
	[dreg:$0x1] =	wrdreg $0xFFFFFFFF  }
0xb9: {  	s28 =	simm.s32 $_size_execute0_lowered;
	s7 =	sadd.s32 s7, s8;
	[dreg:$0x0] =	wrdreg $0x0  }
0xba: {  	s8 =	sshll.u32 s28, $0x1;
	[dreg:$0x2] =	wrdreg s7  }
0xbb: {  	[dreg:$0x3] =	wrdreg s8  }
0xbc: {  	[dreg:$0x4] =	wrdreg $0xC0  }
0xbd: {  	_ =	task [dreg:s23], $0x5FFFF  }
0xbe: {  	[dreg:$0x1] =	wrdreg $0xFFFFFFFF  }
0xbf: {  	[dreg:$0x0] =	wrdreg $0x60  }
0xc0: {  	[dreg:$0x2] =	wrdreg s19  }
0xc1: {  	[dreg:$0x3] =	wrdreg s4  }
0xc2: {  	[dreg:$0x4] =	wrdreg s5  }
0xc3: {  	[dreg:$0x5] =	wrdreg s6  }
0xc4: {  	[dreg:$0x6] =	wrdreg $0xA  }
0xc5: {  	_ =	task.clear_ibuf [dreg:s23], $0x7FFFF;
	_ =	strace $0x9000004C  }
0xc6: {  	s29 =	simm.s32 $0xA;
	_ =	strace $0x8000004E  }
0xc7: {  	_ =	swait.ge [sflag:s29], $0x1  }
0xc8: {  	[sflag:s29] =	ssyncadd.s32 $0xFFFFFFFF  }
0xc9: {  	_ =	strace $0x9000004E  }
0xca: {  	_ =	sfence  }
0xcb: {  	s30 =	sld [smem:$0x0];
	_ =	sdelay $0x2  }
0xcc: {  	s31 =	sshll.u32 s1, $0xD;
	s1 =	sshrl.u32 s1, $0x2  }
0xcd: {  	s4 =	sand.u32 $0x4000, s31;
	s1 =	sadd.s32 s1, s30  }
0xce: {  	s0 =	sor.u32 s4, s0;
	s1 =	sshll.u32 s1, $0x11  }
0xcf: {  	s0 =	sor.u32 s1, s0  }
0xd0: {  	s0 =	sadd.s32 $0x8F2B, s0  }
0xd1: {  	[sflag:s0] =	ssyncadd.remote.s32 $0x1  }
0xd2: {  	_ =	sfence.sel $0xFFFF  }
0xd3: {  	[dreg:$0x0] =	wrdreg $0xFFFFFFFF;
	(pc) =	sbr.abs _section_cstart, $3  }
0xd4: {  	[dreg:$0x1] =	wrdreg $0xFFFFFFFF  }
0xd5: {  	_ =	task.clear_ibuf [dreg:s23], $0x2FFFF;
	_ =	strace $0x9FFFFFFF  }
0xd6: {  	(tm) =	ssettm $0x7FFFFFFF  }
0xd7: {  	_ =	shalt  }
tec
execute0_lowered:
.L_overlay_start_1:
0x0: {  	(tag) =	ssettag $0x1  }
0x1: {  	s1 =	rddreg [dreg:$0x0]  }
0x2: {  	s4 =	rddreg [dreg:$0x1]  }
0x3: {  	s5 =	rddreg [dreg:$0x2]  }
0x4: {  	s2 =	srdreg.scid;
	s0 =	stileid.u32  }
0x5: {  	s7 =	rddreg [dreg:$0x3];
	s3 =	simm.s32 $0x0;
	s12 =	simm.s32 $0x190  }
0x6: {  	s13 =	simm.s32 $0x4F00;
	s14 =	simm.s32 $0x11700;
	s15 =	simm.s32 $0x1  }
0x7: {  	s16 =	simm.s32 $0x400;
	s17 =	simm.s32 $0x800;
	s18 =	simm.s32 $0x2  }
0x8: {  	s19 =	simm.s32 $0x4D00;
	s20 =	simm.s32 $0x0;
	s6 =	sand.u32 $0x1, s2  }
0x9: {  	s8 =	sshll.u32 s0, $0x1;
	s2 =	rddreg [dreg:$0x4];
	s29 =	smul.u32 $0x9C400, s0  }
0xa: {  	[smem:$0x7FF] =	sst s3;
	s8 =	sor.u32 s6, s8;
	s30 =	smul.u32 $0x4E200, s6  }
0xb: {  	s9 =	ssub.s32 $0x2, s6;
	_ =	strace $0x8000004D;
	s10 =	smul.u32 $0x2710, s8  }
0xc: {  	s11 =	sshrl.u32 s9, $0x1;
	s8 =	smul.u32 $0x4E200, s8;
	s31 =	sadd.s32 s29, s7  }
0xd: {  	s9 =	ssub.s32 s9, s11;
	s11 =	simm.s32 $0x2780;
	s10 =	sshrl.u32 s10, $0x3  }
0xe: {  	s6 =	smax.u32 s9, $0x1;
	s8 =	sadd.s32 s7, s8;
	s9 =	sadd.s32 s30, s31  }
0xf: {  	s4 =	sadd.s32 s4, s10;
	s5 =	sadd.s32 s5, s10;
	s7 =	sadd.s32 $0x4B000, s8  }
0x10: {  	s8 =	sadd.s32 $0x4B080, s8;
	s9 =	sadd.s32 $0x80, s9;
	s10 =	simm.s32 $0x3  }
.LBB2_1:
0x11: {  	[tilespmem:s3], [sflag:$0x3] =	stream.linear.gather [hbm4b:s4+s3], $0x2710, $0x38;
	[tilespmem:$0x1DF00] =	vst v63  }
0x12: {  	_ =	swait.ge [sflag:s10], $0x2710  }
0x13: {  	[sflag:s10] =	ssyncset.done $0x0  }
0x14: {  	[sflag:s10] =	ssyncadd.s32 $0xFFFFD8F0  }
0x15: {  	[tilespmem:s11], [sflag:$0x3] =	stream.linear.gather [hbm4b:s5+s3], $0x2710, $0x38;
	[tilespmem:$0x1DF00] =	vst v63  }
0x16: {  	_ =	swait.ge [sflag:s10], $0x2710  }
0x17: {  	[sflag:s10] =	ssyncset.done $0x0  }
0x18: {  	[sflag:s10] =	ssyncadd.s32 $0xFFFFD8F0  }
0x19: {  	[tilespmem:s13], [sflag:$0x1] =	stream.indirect.gather [hbm4b:s1+s12], $0x80, s3, s12, $0xb8;
	[tilespmem:$0x1DF00] =	vst v63  }
0x1a: {  	s21 =	simm.s32 $0x2780  }
0x1b: {  	[tilespmem:s14], [sflag:$0x2] =	stream.indirect.gather [hbm4b:s1+s12], $0x80, s21, s12, $0xb8;
	[tilespmem:$0x1DF00] =	vst v63  }
0x1c: {  	_ =	swait.ge [sflag:s15], $0xC800  }
0x1d: {  	[sflag:s15] =	ssyncset.done $0x0  }
0x1e: {  	s30 =	sadd.s32 $0xFFFFFF80, s9;
	[sflag:s15] =	ssyncadd.s32 $0xFFFF3800  }
0x1f: {  	[hbm4b:s30+s16] =	stream.strided.scatter [tilespmem:s13], [sflag:$0x3], $0xC800, s17, s16, $0x38;
	[tilespmem:$0x1DF00] =	vst v63  }
0x20: {  	_ =	swait.ge [sflag:s10], $0xC800  }
0x21: {  	[sflag:s10] =	ssyncset.done $0x0  }
0x22: {  	s31 =	simm.s32 $0x190;
	[sflag:s10] =	ssyncadd.s32 $0xFFFF3800  }
0x23: {  	[tilespmem:s13], [sflag:$0x1] =	stream.indirect.gather [hbm4b:s1+s12], $0x80, s31, s12, $0xb8;
	[tilespmem:$0x1DF00] =	vst v63  }
0x24: {  	_ =	swait.ge [sflag:s18], $0xC800  }
0x25: {  	[sflag:s18] =	ssyncset.done $0x0  }
0x26: {  	[sflag:s18] =	ssyncadd.s32 $0xFFFF3800  }
0x27: {  	[hbm4b:s9+s16] =	stream.strided.scatter [tilespmem:s14], [sflag:$0x3], $0xC800, s17, s16, $0x38;
	[tilespmem:$0x1DF00] =	vst v63  }
0x28: {  	s23 =	simm.s32 $0xC80;
	_ =	swait.ge [sflag:s10], $0xC800  }
0x29: {  	s22 =	simm.s32 $0x190;
	s21 =	sadd.s32 $0x3200, s9;
	[sflag:s10] =	ssyncset.done $0x0  }
.LBB2_2:
0x2a: {  	s24 =	sadd.s32 $0x2780, s22  }
0x2b: {  	[sflag:s10] =	ssyncadd.s32 $0xFFFF3800;
	s25 =	smov.u32 s23;
	s26 =	sadd.s32 $0x640, s23  }
0x2c: {  	[tilespmem:s14], [sflag:$0x2] =	stream.indirect.gather [hbm4b:s1+s12], $0x80, s24, s12, $0xb8;
	[tilespmem:$0x1DF00] =	vst v63  }
0x2d: {  	p0 =	sne.s32 s23, $0x8FC0;
	_ =	swait.ge [sflag:s15], $0xC800  }
0x2e: {  	[sflag:s15] =	ssyncset.done $0x0  }
0x2f: {  	s23 =	sadd.s32 $0xFFFFFF80, s21;
	[sflag:s15] =	ssyncadd.s32 $0xFFFF3800  }
0x30: {  	[hbm4b:s23+s16] =	stream.strided.scatter [tilespmem:s13], [sflag:$0x3], $0xC800, s17, s16, $0x38;
	[tilespmem:$0x1DF00] =	vst v63  }
0x31: {  	_ =	swait.ge [sflag:s10], $0xC800  }
0x32: {  	[sflag:s10] =	ssyncset.done $0x0  }
0x33: {  	s22 =	sadd.s32 $0x190, s22;
	[sflag:s10] =	ssyncadd.s32 $0xFFFF3800  }
0x34: {  	[tilespmem:s13], [sflag:$0x1] =	stream.indirect.gather [hbm4b:s1+s12], $0x80, s22, s12, $0xb8;
	[tilespmem:$0x1DF00] =	vst v63  }
0x35: {  	_ =	swait.ge [sflag:s18], $0xC800  }
.Ltmp0:
0x36: {  	[sflag:s18] =	ssyncset.done $0x0;
	(pc) =	sbr.rel @p0 .LBB2_2-.Ltmp0, $4  }
0x37: {  	[sflag:s18] =	ssyncadd.s32 $0xFFFF3800  }
0x38: {  	[hbm4b:s21+s16] =	stream.strided.scatter [tilespmem:s14], [sflag:$0x3], $0xC800, s17, s16, $0x38;
	[tilespmem:$0x1DF00] =	vst v63  }
0x39: {  	s23 =	smov.u32 s26;
	_ =	swait.ge [sflag:s10], $0xC800  }
0x3a: {  	s22 =	sshra.s32 s25, $0x2;
	s21 =	sadd.s32 $0x3200, s21;
	[sflag:s10] =	ssyncset.done $0x0  }
0x3b: {  	s23 =	sadd.s32 $0x2780, s22;
	[sflag:s10] =	ssyncadd.s32 $0xFFFF3800  }
0x3c: {  	[tilespmem:s14], [sflag:$0x2] =	stream.indirect.gather [hbm4b:s1+s12], $0x80, s23, s12, $0xb8;
	[tilespmem:$0x1DF00] =	vst v63  }
0x3d: {  	_ =	swait.ge [sflag:s15], $0xC800  }
0x3e: {  	[sflag:s15] =	ssyncset.done $0x0  }
0x3f: {  	s30 =	sadd.s32 $0xFFFFFF80, s21;
	[sflag:s15] =	ssyncadd.s32 $0xFFFF3800  }
0x40: {  	[hbm4b:s30+s16] =	stream.strided.scatter [tilespmem:s13], [sflag:$0x3], $0xC800, s17, s16, $0x38;
	[tilespmem:$0x1DF00] =	vst v63  }
0x41: {  	_ =	swait.ge [sflag:s10], $0xC800  }
0x42: {  	[sflag:s10] =	ssyncset.done $0x0  }
0x43: {  	s31 =	sadd.s32 $0x190, s22;
	[sflag:s10] =	ssyncadd.s32 $0xFFFF3800  }
0x44: {  	[tilespmem:s13], [sflag:$0x1] =	stream.indirect.gather [hbm4b:s1+s12], $0x80, s31, s12, $0xb8;
	[tilespmem:$0x1DF00] =	vst v63  }
0x45: {  	_ =	swait.ge [sflag:s18], $0xC800  }
0x46: {  	[sflag:s18] =	ssyncset.done $0x0  }
0x47: {  	[sflag:s18] =	ssyncadd.s32 $0xFFFF3800  }
0x48: {  	[hbm4b:s21+s16] =	stream.strided.scatter [tilespmem:s14], [sflag:$0x3], $0xC800, s17, s16, $0x38;
	[tilespmem:$0x1DF00] =	vst v63  }
0x49: {  	_ =	swait.ge [sflag:s10], $0xC800  }
0x4a: {  	[sflag:s10] =	ssyncset.done $0x0  }
0x4b: {  	[sflag:s10] =	ssyncadd.s32 $0xFFFF3800  }
0x4c: {  	[tilespmem:s14], [sflag:$0x2] =	stream.indirect.gather [hbm4b:s1+s12], $0x80, s19, s12, $0xb8;
	[tilespmem:$0x1DF00] =	vst v63  }
0x4d: {  	_ =	swait.ge [sflag:s15], $0xC800  }
0x4e: {  	[sflag:s15] =	ssyncset.done $0x0  }
0x4f: {  	[sflag:s15] =	ssyncadd.s32 $0xFFFF3800  }
0x50: {  	[hbm4b:s7+s16] =	stream.strided.scatter [tilespmem:s13], [sflag:$0x3], $0xC800, s17, s16, $0x38;
	[tilespmem:$0x1DF00] =	vst v63  }
0x51: {  	_ =	swait.ge [sflag:s10], $0xC800  }
0x52: {  	[sflag:s10] =	ssyncset.done $0x0  }
0x53: {  	[sflag:s10] =	ssyncadd.s32 $0xFFFF3800  }
0x54: {  	s20 =	sadd.s32 $0x1, s20;
	_ =	swait.ge [sflag:s18], $0xC800  }
0x55: {  	p0 =	sne.s32 s20, s6;
	[sflag:s18] =	ssyncset.done $0x0  }
.Ltmp1:
0x56: {  	[sflag:s18] =	ssyncadd.s32 $0xFFFF3800;
	(pc) =	sbr.rel @p0 .LBB2_1-.Ltmp1, $4  }
0x57: {  	[hbm4b:s8+s16] =	stream.strided.scatter [tilespmem:s14], [sflag:$0x3], $0xC800, s17, s16, $0x38;
	[tilespmem:$0x1DF00] =	vst v63  }
0x58: {  	_ =	swait.ge [sflag:s10], $0xC800  }
0x59: {  	[sflag:s10] =	ssyncset.done $0x0  }
0x5a: {  	[sflag:s10] =	ssyncadd.s32 $0xFFFF3800  }
0x5b: {  	_ =	sfence.sel $0x180000  }
0x5c: {  	[bflag:$0x0] =	sbarrier.arrive $0xFFFF  }
0x5d: {  	p0 =	sne.s32 s0, $0x0;
	_ =	strace $0x9000004D  }
0x5e: {  	s0 =	sadd.s32 @!p0 $0x100000, s2;
	[bflag:$0x2] =	sbarrier.arrive $0xFFFF  }
0x5f: {  	[sflag:s0] =	ssyncadd.tile.s32 @!p0 $0x1;
	_ =	shalt  }
.Lfunc_end2:
_tile_overlayer_lowered:
.L_overlay_start_2:
0x60: {  	(tag) =	ssettag $0x2  }
0x61: {  	s0 =	rddreg [dreg:$0x0];
	s2 =	stileid.u32  }
0x62: {  	s1 =	rddreg [dreg:$0x1];
	p0 =	sne.s32 s2, $0x0  }
0x63: {  	s3 =	rddreg [dreg:$0x2];
	[bflag:$0x3] =	sbarrier.arrive $0xFFFF;
	s2 =	simm.s32 @!p0 $0x1C03  }
0x64: {  	[timem:s3], [sflag:s2] =	dma.local @!p0 [hbm:s0], s1  }
0x65: {  	s0 =	simm.s32 @!p0 $0x3  }
0x66: {  	_ =	swait.ge @!p0 [sflag:s0], s1  }
0x67: {  	s1 =	ssub.s32 @!p0 $0x0, s1;
	[sflag:s0] =	ssyncset.done @!p0 $0x0  }
0x68: {  	[sflag:s0] =	ssyncadd.s32 @!p0 s1  }
0x69: {  	[bflag:$0x3] =	sbarrier.arrive $0xFFFF  }
0x6a: {  	_ =	shalt  }

// kernel: kernel.6.cloned.1.call-start
scs
__scs_entry_jumppad:
0x0: {  	(pc) =	sbr.rel $0x88, $3  }
0x1: {  	(tag) =	ssettag $0x0;
	lr =	simm.s32 $0x1  }
0x2: {  	[smem:$0x3F97] =	sst lr;
	_ =	strace $0xD0000000  }
0x3: {  	_ = 	snop  }
0x4: {  	_ = 	snop  }
0x5: {  	_ = 	snop  }
0x6: {  	_ = 	snop  }
0x7: {  	_ = 	snop  }
__scs_overlays_trampoline_lowered:
0x8: {  	[smem:$0x3FA6] =	sst s0  }
0x9: {  	[smem:$0x3FA7] =	sst s1  }
0xa: {  	[smem:$0x3FA8] =	sst s2  }
0xb: {  	[smem:$0x3FA9] =	sst s3  }
0xc: {  	[smem:$0x3FAA] =	sst s4  }
0xd: {  	[smem:$0x3FAB] =	sst s5  }
0xe: {  	[smem:$0x3FAC] =	sst s6  }
0xf: {  	[smem:$0x3FAD] =	sst s7  }
0x10: {  	[smem:$0x3FAE] =	sst s8  }
0x11: {  	[smem:$0x3FAF] =	sst s9;
	s0 =	simm.s32 @!p0 $0x0  }
0x12: {  	s1 =	sld [smem:$0x3F95];
	s0 =	simm.s32 @p0 $0x1  }
0x13: {  	[smem:$0x3FB0] =	sst s0;
	s0 =	simm.s32 @!p1 $0x0  }
0x14: {  	s2 =	sld [smem:$0x3F94];
	s0 =	simm.s32 @p1 $0x1  }
0x15: {  	[smem:$0x3FB1] =	sst s0;
	s0 =	simm.s32 @!p2 $0x0  }
0x16: {  	s3 =	sld [smem:$0x3FDB];
	s0 =	simm.s32 @p2 $0x1  }
0x17: {  	s4 =	simm.s32 $0x1BF5;
	[smem:$0x3FB3] =	sst s0  }
0x18: {  	s0 =	sld [smem:$0x3F96];
	_ =	swait.ge [sflag:s4], $0x0  }
0x19: {  	s7 =	sld [smem:$0x3F97]  }
0x1a: {  	s8 =	sadd.s32 $0xFFFFE003, lr  }
0x1b: {  	s9 =	sadd.s32 $0xFFFFFEF7, lr;
	s5 =	simm.s32 $0xFFFFFFFF;
	p2 =	slt.u32 s8, $0xFFFFF086  }
0x1c: {  	p1 =	slt.u32 s9, $0xF7A;
	s5 =	simm.s32 @!p2 $0x0  }
0x1d: {  	s5 =	simm.s32 @p1 $0x1;
	p0 =	seq.s32 s7, s2  }
0x1e: {  	s7 =	smul.u32 @!p0 $0xF7A, s2;
	p2 =	seq.s32 @!p0 s5, $0x0  }
0x1f: {  	s9 =	smul.u32 $0xF7A, s1;
	s8 =	simm.s32 @!p0 $0x1BF5;
	p2 =	por !p2, p0  }
0x20: {  	[sflag:s8] =	ssyncset.s32 @!p0 $0xFFFFF086;
	s6 =	sadd.s32 @!p0 s3, s7;
	s7 =	simm.s32 @!p0 $0x108  }
0x21: {  	s3 =	sadd.s32 s3, s9;
	s6 =	sadd.s32 @!p0 $0x88, s6;
	s7 =	simm.s32 @p2 $0x1082  }
0x22: {  	[simem:s7], [sflag:s8] =	dma.local @!p0 [hbm:s6], $0xF7A  }
0x23: {  	s9 =	sor.u32 $0xD0000000, s2;
	s6 =	simm.s32 $0x108;
	_ =	swait.ge @!p0 [sflag:s8], $0x0  }
0x24: {  	s3 =	sadd.s32 $0x88, s3;
	s6 =	simm.s32 @!p1 $0x1082;
	[sflag:s4] =	ssyncset.s32 $0xFFFFF086  }
0x25: {  	[simem:s6], [sflag:s4] =	dma.local [hbm:s3], $0xF7A  }
0x26: {  	[smem:$0x3F97] =	sst s1;
	(tag) =	ssettag s2;
	_ =	strace s9  }
0x27: {  	s1 =	sld [smem:$0x3FA7]  }
0x28: {  	s2 =	sld [smem:$0x3FA8]  }
0x29: {  	s4 =	sld [smem:$0x3FAA]  }
0x2a: {  	p0 =	seq.s32 s5, $0x0;
	s5 =	sld [smem:$0x3FAB]  }
0x2b: {  	s6 =	sld [smem:$0x3FAC]  }
0x2c: {  	s7 =	sld [smem:$0x3FAD]  }
0x2d: {  	s3 =	simm.s32 $0x108;
	s8 =	sld [smem:$0x3FAE]  }
0x2e: {  	s3 =	simm.s32 @!p0 $0x1082;
	s9 =	sld [smem:$0x3FAF]  }
0x2f: {  	lr =	sadd.s32 s0, s3;
	s0 =	sld [smem:$0x3FA6]  }
0x30: {  	s3 =	sld [smem:$0x3FA9]  }
0x31: {  	[smem:$0x3FB2] =	sst s10  }
0x32: {  	s10 =	sld [smem:$0x3FB0];
	_ =	sdelay $0x3  }
0x33: {  	p0 =	seq.s32 s10, $0x1;
	s10 =	sld [smem:$0x3FB2];
	_ =	sdelay $0x3  }
0x34: {  	[smem:$0x3FB2] =	sst s10  }
0x35: {  	s10 =	sld [smem:$0x3FB1];
	_ =	sdelay $0x3  }
0x36: {  	p1 =	seq.s32 s10, $0x1;
	s10 =	sld [smem:$0x3FB2];
	_ =	sdelay $0x3  }
0x37: {  	[smem:$0x3FB2] =	sst s10  }
0x38: {  	s10 =	sld [smem:$0x3FB3]  }
0x39: {  	_ = 	snop;
	(pc) =	sbr.ind lr, $3  }
0x3a: {  	_ = 	snop  }
0x3b: {  	_ = 	snop  }
0x3c: {  	p2 =	seq.s32 s10, $0x1;
	s10 =	sld [smem:$0x3FB2]  }
0x3d: {  	_ =	shalt  }
0x3e: {  	_ =	shalt  }
0x3f: {  	_ =	shalt  }
0x40: {  	_ =	shalt  }
0x41: {  	_ =	shalt  }
0x42: {  	_ =	shalt  }
0x43: {  	_ =	shalt  }
0x44: {  	_ =	shalt  }
0x45: {  	_ =	shalt  }
0x46: {  	_ =	shalt  }
0x47: {  	_ =	shalt  }
0x48: {  	_ =	shalt  }
0x49: {  	_ =	shalt  }
0x4a: {  	_ =	shalt  }
0x4b: {  	_ =	shalt  }
0x4c: {  	_ =	shalt  }
0x4d: {  	_ =	shalt  }
0x4e: {  	_ =	shalt  }
0x4f: {  	_ =	shalt  }
0x50: {  	_ =	shalt  }
0x51: {  	_ =	shalt  }
0x52: {  	_ =	shalt  }
0x53: {  	_ =	shalt  }
0x54: {  	_ =	shalt  }
0x55: {  	_ =	shalt  }
0x56: {  	_ =	shalt  }
0x57: {  	_ =	shalt  }
0x58: {  	_ =	shalt  }
0x59: {  	_ =	shalt  }
0x5a: {  	_ =	shalt  }
0x5b: {  	_ =	shalt  }
0x5c: {  	_ =	shalt  }
0x5d: {  	_ =	shalt  }
0x5e: {  	_ =	shalt  }
0x5f: {  	_ =	shalt  }
0x60: {  	_ =	shalt  }
0x61: {  	_ =	shalt  }
0x62: {  	_ =	shalt  }
0x63: {  	_ =	shalt  }
0x64: {  	_ =	shalt  }
0x65: {  	_ =	shalt  }
0x66: {  	_ =	shalt  }
0x67: {  	_ =	shalt  }
0x68: {  	_ =	shalt  }
0x69: {  	_ =	shalt  }
0x6a: {  	_ =	shalt  }
0x6b: {  	_ =	shalt  }
0x6c: {  	_ =	shalt  }
0x6d: {  	_ =	shalt  }
0x6e: {  	_ =	shalt  }
0x6f: {  	_ =	shalt  }
0x70: {  	_ =	shalt  }
0x71: {  	_ =	shalt  }
0x72: {  	_ =	shalt  }
0x73: {  	_ =	shalt  }
0x74: {  	_ =	shalt  }
0x75: {  	_ =	shalt  }
0x76: {  	_ =	shalt  }
0x77: {  	_ =	shalt  }
0x78: {  	_ =	shalt  }
0x79: {  	_ =	shalt  }
0x7a: {  	_ =	shalt  }
0x7b: {  	_ =	shalt  }
0x7c: {  	_ =	shalt  }
0x7d: {  	_ =	shalt  }
0x7e: {  	_ =	shalt  }
0x7f: {  	_ =	shalt  }
0x80: {  	_ =	shalt  }
0x81: {  	_ =	shalt  }
0x82: {  	_ =	shalt  }
0x83: {  	_ =	shalt  }
0x84: {  	_ =	shalt  }
0x85: {  	_ =	shalt  }
0x86: {  	_ =	shalt  }
0x87: {  	_ =	shalt  }
.Lfunc_end0:
.L_simem_size_0:
called_computation.2_lowered:
.L_overlay_start_0:
0x88: {  	s2 =	sld [smem:$0x3FD9]  }
0x89: {  	s3 =	sld [smem:$0x3FFE];
	_ =	sdelay $0x1  }
0x8a: {  	s1 =	srdreg.scid  }
0x8b: {  	s0 =	sand.u32 $0x1, s1  }
0x8c: {  	s17 =	sshll.u32 s0, $0xA;
	s2 =	sadd.s32 s3, s2  }
0x8d: {  	s2 =	sadd.s32 s2, s17  }
0x8e: {  	[smem:$0x3FBE] =	sst s2  }
0x8f: {  	_ = 	snop  }
0x90: {  	s2 =	sld [smem:$0x3FC8]  }
0x91: {  	s18 =	sld [smem:$0x3FC4]  }
0x92: {  	s4 =	sld [smem:$0x3FC0];
	(tm) =	ssettm $0x1  }
0x93: {  	s5 =	sld [smem:$0x3FFB];
	_ =	sdelay $0x3  }
0x94: {  	_ =	strace s5  }
0x95: {  	s5 =	sld [smem:$0x3FFC];
	_ =	sdelay $0x3  }
0x96: {  	_ =	strace s5  }
0x97: {  	s5 =	sld [smem:$0x3FFD];
	_ =	sdelay $0x3  }
0x98: {  	_ =	strace s5  }
0x99: {  	_ =	strace $0x8FFFFFFF  }
0x9a: {  	s19 =	sld [smem:$0x3FDB];
	_ =	sdelay $0x1  }
0x9b: {  	s6 =	simm.s32 $_scs_section_size  }
0x9c: {  	s7 =	simm.s32 $_size__tile_overlayer_lowered;
	s8 =	simm.s32 $_tile_overlayer_lowered  }
0x9d: {  	s22 =	simm.s32 $0x1BFF;
	s21 =	sshll.u32 s8, $0x1;
	s5 =	sadd.s32 s6, s19  }
0x9e: {  	s9 =	simm.s32 $0x0;
	s20 =	sshll.u32 s7, $0x1;
	s7 =	sadd.s32 s21, s5  }
0x9f: {  	[timem:s9], [sflag:s22] =	dma.local [hbm:s7], s20  }
0xa0: {  	_ =	swait.ge [sflag:s22], s20  }
0xa1: {  	s6 =	ssub.s32 $0x0, s20;
	[sflag:s22] =	ssyncset.done $0x0  }
0xa2: {  	[sflag:s22] =	ssyncadd.s32 s6;
	_ =	sdelay $0x1  }
0xa3: {  	s23 =	simm.s32 $0x1B8B  }
0xa4: {  	_ =	swait.ge [sflag:s23], $0x1  }
0xa5: {  	[sflag:s23] =	ssyncset.done $0x0  }
0xa6: {  	s25 =	simm.s32 $0x1B8E;
	s24 =	sld [smem:$0x3FFE];
	[sflag:s23] =	ssyncadd.s32 $0xFFFFFFFF  }
0xa7: {  	s26 =	simm.s32 $execute0_lowered;
	[smem:$0x3FD2] =	sst s25  }
0xa8: {  	s7 =	sshll.u32 s26, $0x1;
	_ =	strace $0x80000046;
	[dreg:$0x1] =	wrdreg $0xFFFFFFFF  }
0xa9: {  	s28 =	simm.s32 $_size_execute0_lowered;
	s5 =	sadd.s32 s5, s7;
	[dreg:$0x0] =	wrdreg $0x0  }
0xaa: {  	s7 =	sshll.u32 s28, $0x1;
	[dreg:$0x2] =	wrdreg s5  }
0xab: {  	[dreg:$0x3] =	wrdreg s7  }
0xac: {  	[dreg:$0x4] =	wrdreg $0xC0  }
0xad: {  	_ =	task [dreg:s9], $0x5FFFF  }
0xae: {  	[dreg:$0x1] =	wrdreg $0xFFFFFFFF  }
0xaf: {  	[dreg:$0x0] =	wrdreg $0x60  }
0xb0: {  	[dreg:$0x2] =	wrdreg s2  }
0xb1: {  	[dreg:$0x3] =	wrdreg s18  }
0xb2: {  	[dreg:$0x4] =	wrdreg s4  }
0xb3: {  	[dreg:$0x5] =	wrdreg s24  }
0xb4: {  	[dreg:$0x6] =	wrdreg $0xB  }
0xb5: {  	_ =	task.clear_ibuf [dreg:s9], $0x7FFFF;
	_ =	strace $0x90000046  }
0xb6: {  	s29 =	simm.s32 $0xB;
	_ =	strace $0x80000048  }
0xb7: {  	_ =	swait.ge [sflag:s29], $0x1  }
0xb8: {  	[sflag:s29] =	ssyncadd.s32 $0xFFFFFFFF  }
0xb9: {  	_ =	strace $0x90000048  }
0xba: {  	_ =	sfence  }
0xbb: {  	s30 =	sld [smem:$0x0];
	_ =	sdelay $0x2  }
0xbc: {  	s31 =	sshll.u32 s1, $0xD;
	s1 =	sshrl.u32 s1, $0x2  }
0xbd: {  	s3 =	sand.u32 $0x4000, s31;
	s1 =	sadd.s32 s1, s30  }
0xbe: {  	s0 =	sor.u32 s3, s0;
	s1 =	sshll.u32 s1, $0x11  }
0xbf: {  	s0 =	sor.u32 s1, s0  }
0xc0: {  	s0 =	sadd.s32 $0x8F2B, s0  }
0xc1: {  	[sflag:s0] =	ssyncadd.remote.s32 $0x1  }
0xc2: {  	_ =	sfence.sel $0xFFFF  }
0xc3: {  	[dreg:$0x0] =	wrdreg $0xFFFFFFFF;
	(pc) =	sbr.abs _section_cstart, $3  }
0xc4: {  	[dreg:$0x1] =	wrdreg $0xFFFFFFFF  }
0xc5: {  	_ =	task.clear_ibuf [dreg:s9], $0x2FFFF;
	_ =	strace $0x9FFFFFFF  }
0xc6: {  	(tm) =	ssettm $0x7FFFFFFF  }
0xc7: {  	_ =	shalt  }
tec
execute0_lowered:
.L_overlay_start_1:
0x0: {  	(tag) =	ssettag $0x1  }
0x1: {  	s1 =	rddreg [dreg:$0x0]  }
0x2: {  	s5 =	rddreg [dreg:$0x1]  }
0x3: {  	s4 =	rddreg [dreg:$0x2];
	s2 =	srdreg.scid  }
0x4: {  	s0 =	stileid.u32;
	s6 =	rddreg [dreg:$0x3]  }
0x5: {  	s10 =	simm.s32 $0x4E20;
	s11 =	simm.s32 $0x7530;
	s12 =	simm.s32 $0x0  }
0x6: {  	s7 =	sand.u32 $0x1, s2;
	s3 =	sshll.u32 s0, $0x1;
	s2 =	rddreg [dreg:$0x4]  }
0x7: {  	s8 =	sor.u32 s7, s3;
	s3 =	simm.s32 $0x0;
	s7 =	ssub.s32 $0x2, s7  }
0x8: {  	s8 =	smul.u32 $0x4E2, s8;
	[smem:$0x7FF] =	sst s3;
	s9 =	sshrl.u32 s7, $0x1  }
0x9: {  	_ =	strace $0x80000047;
	s7 =	ssub.s32 s7, s9;
	s9 =	simm.s32 $0x2710  }
0xa: {  	s6 =	sadd.s32 s8, s6;
	s4 =	sadd.s32 s4, s8;
	s5 =	sadd.s32 s5, s8  }
0xb: {  	s7 =	smax.u32 s7, $0x1;
	s8 =	simm.s32 $0x1;
	s6 =	sadd.s32 $0x1A00, s6  }
.LBB2_1:
0xc: {  	[tilespmem:s3], [sflag:$0x1] =	stream.linear.gather [hbm4b:s1+s3], $0x2710, $0x38;
	[tilespmem:$0x9C40] =	vst v63  }
0xd: {  	_ =	swait.ge [sflag:s8], $0x2710  }
0xe: {  	[sflag:s8] =	ssyncset.done $0x0  }
0xf: {  	[sflag:s8] =	ssyncadd.s32 $0xFFFFD8F0  }
0x10: {  	[tilespmem:s9], [sflag:$0x1] =	stream.linear.gather [hbm4b:s4+s3], $0x2710, $0x38;
	[tilespmem:$0x9C40] =	vst v63  }
0x11: {  	_ =	swait.ge [sflag:s8], $0x2710  }
0x12: {  	[sflag:s8] =	ssyncset.done $0x0  }
0x13: {  	[sflag:s8] =	ssyncadd.s32 $0xFFFFD8F0  }
0x14: {  	[tilespmem:s10], [sflag:$0x1] =	stream.linear.gather [hbm4b:s5+s3], $0x2710, $0x38;
	[tilespmem:$0x9C40] =	vst v63  }
0x15: {  	_ =	swait.ge [sflag:s8], $0x2710  }
0x16: {  	[sflag:s8] =	ssyncset.done $0x0  }
0x17: {  	s13 =	simm.s32 $0x0;
	[sflag:s8] =	ssyncadd.s32 $0xFFFFD8F0  }
0x18: {  	v1 =	vld [tilespmem:s13+$0x2710];
	_ =	sdelay $0x6  }
0x19: {  	v0 =	vld [tilespmem:s13+$0x4E20]  }
0x1a: {  	s14 =	simm.s32 $0x10;
	s15 =	simm.s32 $0x80;
	v1 =	vld.idx.msk [tilespmem:v1+s3+$0x0], $0xffff  }
.LBB2_2:
0x1b: {  	p0 =	sne.s32 s15, $0x9C00;
	v2 =	vld [tilespmem:s14+$0x2710];
	_ =	sdelay $0x3  }
.Ltmp0:
0x1c: {  	(pc) =	sbr.rel @p0 .LBB2_2-.Ltmp0, $3  }
0x1d: {  	v1 =	vsub.f32 v0, v1;
	_ =	sdelay $0x1  }
0x1e: {  	v0 =	vld [tilespmem:s14+$0x4E20];
	[tilespmem:s13+$0x7530] =	vst v1;
	s13 =	smov.u32 s14  }
0x1f: {  	s14 =	sshra.s32 s15, $0x2;
	s15 =	sadd.s32 $0x40, s15;
	v1 =	vld.idx.msk [tilespmem:v2+s3+$0x0], $0xffff  }
0x20: {  	v2 =	vld [tilespmem:s14+$0x2710];
	_ =	sdelay $0x4  }
0x21: {  	v0 =	vsub.f32 v0, v1;
	_ =	sdelay $0x1  }
0x22: {  	v63 =	vld [tilespmem:s14+$0x4E20];
	[tilespmem:s13+$0x7530] =	vst v0  }
0x23: {  	v0 =	vld.idx.msk [tilespmem:v2+s3+$0x0], $0xffff;
	_ =	sdelay $0x4  }
0x24: {  	s12 =	sadd.s32 $0x1, s12;
	v0 =	vsub.f32 v63, v0  }
0x25: {  	p0 =	sne.s32 s12, s7  }
.Ltmp1:
0x26: {  	[tilespmem:s14+$0x7530] =	vst v0;
	(pc) =	sbr.rel @p0 .LBB2_1-.Ltmp1, $4  }
0x27: {  	[hbm4b:s6+s3] =	stream.linear.scatter [tilespmem:s11], [sflag:$0x1], $0x2710, $0x38;
	[tilespmem:$0x9C40] =	vst v63  }
0x28: {  	_ =	swait.ge [sflag:s8], $0x2710  }
0x29: {  	[sflag:s8] =	ssyncset.done $0x0  }
0x2a: {  	[sflag:s8] =	ssyncadd.s32 $0xFFFFD8F0  }
0x2b: {  	_ =	sfence.sel $0x180000  }
0x2c: {  	[bflag:$0x0] =	sbarrier.arrive $0xFFFF  }
0x2d: {  	p0 =	sne.s32 s0, $0x0;
	_ =	strace $0x90000047  }
0x2e: {  	s0 =	sadd.s32 @!p0 $0x100000, s2;
	[bflag:$0x2] =	sbarrier.arrive $0xFFFF  }
0x2f: {  	[sflag:s0] =	ssyncadd.tile.s32 @!p0 $0x1;
	_ =	shalt  }
.Lfunc_end2:
_tile_overlayer_lowered:
.L_overlay_start_2:
0x30: {  	(tag) =	ssettag $0x2  }
0x31: {  	s0 =	rddreg [dreg:$0x0];
	s2 =	stileid.u32  }
0x32: {  	s1 =	rddreg [dreg:$0x1];
	p0 =	sne.s32 s2, $0x0  }
0x33: {  	s3 =	rddreg [dreg:$0x2];
	[bflag:$0x3] =	sbarrier.arrive $0xFFFF;
	s2 =	simm.s32 @!p0 $0x1C01  }
0x34: {  	[timem:s3], [sflag:s2] =	dma.local @!p0 [hbm:s0], s1  }
0x35: {  	s0 =	simm.s32 @!p0 $0x1  }
0x36: {  	_ =	swait.ge @!p0 [sflag:s0], s1  }
0x37: {  	s1 =	ssub.s32 @!p0 $0x0, s1;
	[sflag:s0] =	ssyncset.done @!p0 $0x0  }
0x38: {  	[sflag:s0] =	ssyncadd.s32 @!p0 s1  }
0x39: {  	[bflag:$0x3] =	sbarrier.arrive $0xFFFF  }
0x3a: {  	_ =	shalt  }

// kernel: kernel.9.cloned.1.call-start
scs
__scs_entry_jumppad:
0x0: {  	(pc) =	sbr.rel $0x88, $3  }
0x1: {  	(tag) =	ssettag $0x0;
	lr =	simm.s32 $0x1  }
0x2: {  	[smem:$0x3F97] =	sst lr;
	_ =	strace $0xD0000000  }
0x3: {  	_ = 	snop  }
0x4: {  	_ = 	snop  }
0x5: {  	_ = 	snop  }
0x6: {  	_ = 	snop  }
0x7: {  	_ = 	snop  }
__scs_overlays_trampoline_lowered:
0x8: {  	[smem:$0x3FA6] =	sst s0  }
0x9: {  	[smem:$0x3FA7] =	sst s1  }
0xa: {  	[smem:$0x3FA8] =	sst s2  }
0xb: {  	[smem:$0x3FA9] =	sst s3  }
0xc: {  	[smem:$0x3FAA] =	sst s4  }
0xd: {  	[smem:$0x3FAB] =	sst s5  }
0xe: {  	[smem:$0x3FAC] =	sst s6  }
0xf: {  	[smem:$0x3FAD] =	sst s7  }
0x10: {  	[smem:$0x3FAE] =	sst s8  }
0x11: {  	[smem:$0x3FAF] =	sst s9;
	s0 =	simm.s32 @!p0 $0x0  }
0x12: {  	s1 =	sld [smem:$0x3F95];
	s0 =	simm.s32 @p0 $0x1  }
0x13: {  	[smem:$0x3FB0] =	sst s0;
	s0 =	simm.s32 @!p1 $0x0  }
0x14: {  	s2 =	sld [smem:$0x3F94];
	s0 =	simm.s32 @p1 $0x1  }
0x15: {  	[smem:$0x3FB1] =	sst s0;
	s0 =	simm.s32 @!p2 $0x0  }
0x16: {  	s3 =	sld [smem:$0x3FDB];
	s0 =	simm.s32 @p2 $0x1  }
0x17: {  	s4 =	simm.s32 $0x1BF5;
	[smem:$0x3FB3] =	sst s0  }
0x18: {  	s0 =	sld [smem:$0x3F96];
	_ =	swait.ge [sflag:s4], $0x0  }
0x19: {  	s7 =	sld [smem:$0x3F97]  }
0x1a: {  	s8 =	sadd.s32 $0xFFFFE003, lr  }
0x1b: {  	s9 =	sadd.s32 $0xFFFFFEF7, lr;
	s5 =	simm.s32 $0xFFFFFFFF;
	p2 =	slt.u32 s8, $0xFFFFF086  }
0x1c: {  	p1 =	slt.u32 s9, $0xF7A;
	s5 =	simm.s32 @!p2 $0x0  }
0x1d: {  	s5 =	simm.s32 @p1 $0x1;
	p0 =	seq.s32 s7, s2  }
0x1e: {  	s7 =	smul.u32 @!p0 $0xF7A, s2;
	p2 =	seq.s32 @!p0 s5, $0x0  }
0x1f: {  	s9 =	smul.u32 $0xF7A, s1;
	s8 =	simm.s32 @!p0 $0x1BF5;
	p2 =	por !p2, p0  }
0x20: {  	[sflag:s8] =	ssyncset.s32 @!p0 $0xFFFFF086;
	s6 =	sadd.s32 @!p0 s3, s7;
	s7 =	simm.s32 @!p0 $0x108  }
0x21: {  	s3 =	sadd.s32 s3, s9;
	s6 =	sadd.s32 @!p0 $0x88, s6;
	s7 =	simm.s32 @p2 $0x1082  }
0x22: {  	[simem:s7], [sflag:s8] =	dma.local @!p0 [hbm:s6], $0xF7A  }
0x23: {  	s9 =	sor.u32 $0xD0000000, s2;
	s6 =	simm.s32 $0x108;
	_ =	swait.ge @!p0 [sflag:s8], $0x0  }
0x24: {  	s3 =	sadd.s32 $0x88, s3;
	s6 =	simm.s32 @!p1 $0x1082;
	[sflag:s4] =	ssyncset.s32 $0xFFFFF086  }
0x25: {  	[simem:s6], [sflag:s4] =	dma.local [hbm:s3], $0xF7A  }
0x26: {  	[smem:$0x3F97] =	sst s1;
	(tag) =	ssettag s2;
	_ =	strace s9  }
0x27: {  	s1 =	sld [smem:$0x3FA7]  }
0x28: {  	s2 =	sld [smem:$0x3FA8]  }
0x29: {  	s4 =	sld [smem:$0x3FAA]  }
0x2a: {  	p0 =	seq.s32 s5, $0x0;
	s5 =	sld [smem:$0x3FAB]  }
0x2b: {  	s6 =	sld [smem:$0x3FAC]  }
0x2c: {  	s7 =	sld [smem:$0x3FAD]  }
0x2d: {  	s3 =	simm.s32 $0x108;
	s8 =	sld [smem:$0x3FAE]  }
0x2e: {  	s3 =	simm.s32 @!p0 $0x1082;
	s9 =	sld [smem:$0x3FAF]  }
0x2f: {  	lr =	sadd.s32 s0, s3;
	s0 =	sld [smem:$0x3FA6]  }
0x30: {  	s3 =	sld [smem:$0x3FA9]  }
0x31: {  	[smem:$0x3FB2] =	sst s10  }
0x32: {  	s10 =	sld [smem:$0x3FB0];
	_ =	sdelay $0x3  }
0x33: {  	p0 =	seq.s32 s10, $0x1;
	s10 =	sld [smem:$0x3FB2];
	_ =	sdelay $0x3  }
0x34: {  	[smem:$0x3FB2] =	sst s10  }
0x35: {  	s10 =	sld [smem:$0x3FB1];
	_ =	sdelay $0x3  }
0x36: {  	p1 =	seq.s32 s10, $0x1;
	s10 =	sld [smem:$0x3FB2];
	_ =	sdelay $0x3  }
0x37: {  	[smem:$0x3FB2] =	sst s10  }
0x38: {  	s10 =	sld [smem:$0x3FB3]  }
0x39: {  	_ = 	snop;
	(pc) =	sbr.ind lr, $3  }
0x3a: {  	_ = 	snop  }
0x3b: {  	_ = 	snop  }
0x3c: {  	p2 =	seq.s32 s10, $0x1;
	s10 =	sld [smem:$0x3FB2]  }
0x3d: {  	_ =	shalt  }
0x3e: {  	_ =	shalt  }
0x3f: {  	_ =	shalt  }
0x40: {  	_ =	shalt  }
0x41: {  	_ =	shalt  }
0x42: {  	_ =	shalt  }
0x43: {  	_ =	shalt  }
0x44: {  	_ =	shalt  }
0x45: {  	_ =	shalt  }
0x46: {  	_ =	shalt  }
0x47: {  	_ =	shalt  }
0x48: {  	_ =	shalt  }
0x49: {  	_ =	shalt  }
0x4a: {  	_ =	shalt  }
0x4b: {  	_ =	shalt  }
0x4c: {  	_ =	shalt  }
0x4d: {  	_ =	shalt  }
0x4e: {  	_ =	shalt  }
0x4f: {  	_ =	shalt  }
0x50: {  	_ =	shalt  }
0x51: {  	_ =	shalt  }
0x52: {  	_ =	shalt  }
0x53: {  	_ =	shalt  }
0x54: {  	_ =	shalt  }
0x55: {  	_ =	shalt  }
0x56: {  	_ =	shalt  }
0x57: {  	_ =	shalt  }
0x58: {  	_ =	shalt  }
0x59: {  	_ =	shalt  }
0x5a: {  	_ =	shalt  }
0x5b: {  	_ =	shalt  }
0x5c: {  	_ =	shalt  }
0x5d: {  	_ =	shalt  }
0x5e: {  	_ =	shalt  }
0x5f: {  	_ =	shalt  }
0x60: {  	_ =	shalt  }
0x61: {  	_ =	shalt  }
0x62: {  	_ =	shalt  }
0x63: {  	_ =	shalt  }
0x64: {  	_ =	shalt  }
0x65: {  	_ =	shalt  }
0x66: {  	_ =	shalt  }
0x67: {  	_ =	shalt  }
0x68: {  	_ =	shalt  }
0x69: {  	_ =	shalt  }
0x6a: {  	_ =	shalt  }
0x6b: {  	_ =	shalt  }
0x6c: {  	_ =	shalt  }
0x6d: {  	_ =	shalt  }
0x6e: {  	_ =	shalt  }
0x6f: {  	_ =	shalt  }
0x70: {  	_ =	shalt  }
0x71: {  	_ =	shalt  }
0x72: {  	_ =	shalt  }
0x73: {  	_ =	shalt  }
0x74: {  	_ =	shalt  }
0x75: {  	_ =	shalt  }
0x76: {  	_ =	shalt  }
0x77: {  	_ =	shalt  }
0x78: {  	_ =	shalt  }
0x79: {  	_ =	shalt  }
0x7a: {  	_ =	shalt  }
0x7b: {  	_ =	shalt  }
0x7c: {  	_ =	shalt  }
0x7d: {  	_ =	shalt  }
0x7e: {  	_ =	shalt  }
0x7f: {  	_ =	shalt  }
0x80: {  	_ =	shalt  }
0x81: {  	_ =	shalt  }
0x82: {  	_ =	shalt  }
0x83: {  	_ =	shalt  }
0x84: {  	_ =	shalt  }
0x85: {  	_ =	shalt  }
0x86: {  	_ =	shalt  }
0x87: {  	_ =	shalt  }
.Lfunc_end0:
.L_simem_size_0:
called_computation.3_lowered:
.L_overlay_start_0:
0x88: {  	s2 =	sld [smem:$0x3FD9]  }
0x89: {  	s3 =	sld [smem:$0x3FFE];
	_ =	sdelay $0x1  }
0x8a: {  	s1 =	srdreg.scid  }
0x8b: {  	s0 =	sand.u32 $0x1, s1  }
0x8c: {  	s17 =	sshll.u32 s0, $0xA;
	s2 =	sadd.s32 s3, s2  }
0x8d: {  	s2 =	sadd.s32 s2, s17  }
0x8e: {  	[smem:$0x3FBE] =	sst s2  }
0x8f: {  	_ = 	snop  }
0x90: {  	s18 =	sld [smem:$0x3FC1];
	(tm) =	ssettm $0x1  }
0x91: {  	s19 =	sld [smem:$0x3FFB];
	_ =	sdelay $0x3  }
0x92: {  	_ =	strace s19  }
0x93: {  	s2 =	sld [smem:$0x3FFC];
	_ =	sdelay $0x3  }
0x94: {  	_ =	strace s2  }
0x95: {  	s2 =	sld [smem:$0x3FFD];
	_ =	sdelay $0x3  }
0x96: {  	_ =	strace s2  }
0x97: {  	_ =	strace $0x8FFFFFFF  }
0x98: {  	s20 =	sld [smem:$0x3FDB];
	_ =	sdelay $0x1  }
0x99: {  	s4 =	simm.s32 $_scs_section_size  }
0x9a: {  	s5 =	simm.s32 $_size__tile_overlayer_lowered;
	s6 =	simm.s32 $_tile_overlayer_lowered  }
0x9b: {  	s7 =	simm.s32 $0x1BFF;
	s21 =	sshll.u32 s6, $0x1;
	s4 =	sadd.s32 s4, s20  }
0x9c: {  	s22 =	simm.s32 $0x0;
	s5 =	sshll.u32 s5, $0x1;
	s6 =	sadd.s32 s21, s4  }
0x9d: {  	[timem:s22], [sflag:s7] =	dma.local [hbm:s6], s5  }
0x9e: {  	_ =	swait.ge [sflag:s7], s5  }
0x9f: {  	s5 =	ssub.s32 $0x0, s5;
	[sflag:s7] =	ssyncset.done $0x0  }
0xa0: {  	[sflag:s7] =	ssyncadd.s32 s5;
	_ =	sdelay $0x1  }
0xa1: {  	s23 =	simm.s32 $0x1B8B  }
0xa2: {  	_ =	swait.ge [sflag:s23], $0x1  }
0xa3: {  	[sflag:s23] =	ssyncset.done $0x0  }
0xa4: {  	[sflag:s23] =	ssyncadd.s32 $0xFFFFFFFF  }
0xa5: {  	s5 =	sld [smem:$0x0]  }
0xa6: {  	s6 =	sand.u32 $0xFFFFFFFE, s1  }
0xa7: {  	p0 =	sne.s32 s1, s6  }
0xa8: {  	s6 =	sshll.u32 @p0 s6, $0xE  }
0xa9: {  	s6 =	sadd.s32 @p0 $0x11B8D, s6;
	s7 =	sshll.u32 @p0 s5, $0x11  }
0xaa: {  	s6 =	sor.u32 @p0 s7, s6  }
0xab: {  	[sflag:s6] =	ssyncadd.remote.s32 @p0 $0x1;
	_ =	sdelay $0x1  }
0xac: {  	s6 =	simm.s32 @p0 $0x1B8D  }
0xad: {  	_ =	swait.eq @p0 [sflag:s6], $0x1  }
0xae: {  	[sflag:s6] =	ssyncadd.s32 @p0 $0xFFFFFFFF  }
0xaf: {  	s7 =	sshll.u32 @!p0 s1, $0xE  }
0xb0: {  	s7 =	sor.u32 @!p0 $0x4000, s7;
	s6 =	simm.s32 @!p0 $0x1B8D  }
0xb1: {  	s5 =	sshll.u32 @!p0 s5, $0x11;
	s7 =	sadd.s32 @!p0 $0x11B8D, s7;
	_ =	swait.eq @!p0 [sflag:s6], $0x1  }
0xb2: {  	s5 =	sor.u32 @!p0 s5, s7;
	[sflag:s6] =	ssyncadd.s32 @!p0 $0xFFFFFFFF  }
0xb3: {  	s25 =	simm.s32 $0x1B8E;
	s24 =	sld [smem:$0x3FFE];
	[sflag:s5] =	ssyncadd.remote.s32 @!p0 $0x1  }
0xb4: {  	s26 =	simm.s32 $execute0_lowered;
	[smem:$0x3FD2] =	sst s25  }
0xb5: {  	s6 =	sshll.u32 s26, $0x1;
	_ =	strace $0x80000049;
	[dreg:$0x1] =	wrdreg $0xFFFFFFFF  }
0xb6: {  	s28 =	simm.s32 $_size_execute0_lowered;
	s4 =	sadd.s32 s4, s6;
	[dreg:$0x0] =	wrdreg $0x0  }
0xb7: {  	s6 =	sshll.u32 s28, $0x1;
	[dreg:$0x2] =	wrdreg s4  }
0xb8: {  	[dreg:$0x3] =	wrdreg s6  }
0xb9: {  	[dreg:$0x4] =	wrdreg $0xC0  }
0xba: {  	_ =	task [dreg:s22], $0x5FFFF  }
0xbb: {  	[dreg:$0x1] =	wrdreg $0xFFFFFFFF  }
0xbc: {  	[dreg:$0x0] =	wrdreg $0x60  }
0xbd: {  	[dreg:$0x2] =	wrdreg s24  }
0xbe: {  	[dreg:$0x3] =	wrdreg s18  }
0xbf: {  	[dreg:$0x4] =	wrdreg $0x9  }
0xc0: {  	_ =	task.clear_ibuf [dreg:s22], $0x5FFFF;
	_ =	strace $0x90000049  }
0xc1: {  	s29 =	simm.s32 $0x9;
	_ =	strace $0x8000004B  }
0xc2: {  	_ =	swait.ge [sflag:s29], $0x1  }
0xc3: {  	[sflag:s29] =	ssyncadd.s32 $0xFFFFFFFF  }
0xc4: {  	_ =	strace $0x9000004B  }
0xc5: {  	_ =	sfence  }
0xc6: {  	s30 =	sld [smem:$0x0];
	_ =	sdelay $0x2  }
0xc7: {  	s31 =	sshll.u32 s1, $0xD;
	s1 =	sshrl.u32 s1, $0x2  }
0xc8: {  	s4 =	sand.u32 $0x4000, s31;
	s1 =	sadd.s32 s1, s30  }
0xc9: {  	s0 =	sor.u32 s4, s0;
	s1 =	sshll.u32 s1, $0x11  }
0xca: {  	s0 =	sor.u32 s1, s0  }
0xcb: {  	s0 =	sadd.s32 $0x8F2B, s0  }
0xcc: {  	[sflag:s0] =	ssyncadd.remote.s32 $0x1  }
0xcd: {  	_ =	sfence.sel $0xFFFF  }
0xce: {  	[dreg:$0x0] =	wrdreg $0xFFFFFFFF;
	(pc) =	sbr.abs _section_cstart, $3  }
0xcf: {  	[dreg:$0x1] =	wrdreg $0xFFFFFFFF  }
0xd0: {  	_ =	task.clear_ibuf [dreg:s22], $0x2FFFF;
	_ =	strace $0x9FFFFFFF  }
0xd1: {  	(tm) =	ssettm $0x7FFFFFFF  }
tec
execute0_lowered:
.L_overlay_start_1:
0x0: {  	(tag) =	ssettag $0x1  }
0x1: {  	s3 =	rddreg [dreg:$0x0]  }
0x2: {  	s6 =	rddreg [dreg:$0x1]  }
0x3: {  	s0 =	rddreg [dreg:$0x2];
	s1 =	stileid.u32  }
0x4: {  	s2 =	simm.s32 $0x0;
	s5 =	srdreg.scid;
	s4 =	smul.u32 $0x9C40, s1  }
0x5: {  	[smem:$0x7FF] =	sst s2;
	s5 =	sand.u32 $0x1, s5;
	s7 =	smul.u32 $0x4E20, s1  }
0x6: {  	_ =	strace $0x8000004A;
	s8 =	ssub.s32 $0x2, s5;
	s9 =	smul.u32 $0x2710, s5  }
0x7: {  	s5 =	smul.u32 $0x4E20, s5;
	s10 =	sadd.s32 s4, s3;
	s31 =	sshrl.u32 s8, $0x1  }
0x8: {  	s3 =	sadd.s32 $0xB800, s3;
	s4 =	ssub.s32 s8, s31;
	s7 =	sadd.s32 s9, s7  }
0x9: {  	s5 =	sadd.s32 s5, s10;
	s8 =	simm.s32 $0x190;
	s9 =	simm.s32 $0x1  }
0xa: {  	s10 =	simm.s32 $0x0;
	s4 =	smax.u32 s4, $0x1;
	s7 =	sshrl.u32 s7, $0x3  }
0xb: {  	s5 =	sadd.s32 $0xA7C00, s5;
	s6 =	sadd.s32 s7, s6;
	s7 =	simm.s32 $0x2  }
.LBB2_1:
0xc: {  	s11 =	sadd.s32 $0x0, s6  }
0xd: {  	[tilespmem:s2], [sflag:$0x2] =	stream.linear.gather [hbm4b:s11+s2], $0x190, $0x38;
	[tilespmem:$0x1A90] =	vst v63  }
0xe: {  	_ =	swait.ge [sflag:s7], $0x190  }
0xf: {  	[sflag:s7] =	ssyncset.done $0x0  }
0x10: {  	[sflag:s7] =	ssyncadd.s32 $0xFFFFFE70  }
0x11: {  	[tilespmem:s8], [sflag:$0x1] =	stream.indirect.gather [hbm4b:s3+s8], $0x10, s2, s8, $0xb8;
	[tilespmem:$0x1A90] =	vst v63  }
0x12: {  	_ =	swait.ge [sflag:s9], $0x1900  }
0x13: {  	[sflag:s9] =	ssyncset.done $0x0  }
0x14: {  	[sflag:s9] =	ssyncadd.s32 $0xFFFFE700  }
0x15: {  	[hbm4b:s5+s2] =	stream.linear.scatter [tilespmem:s8], [sflag:$0x2], $0x1900, $0x38;
	[tilespmem:$0x1A90] =	vst v63  }
0x16: {  	s12 =	simm.s32 $0x32;
	_ =	swait.ge [sflag:s7], $0x1900  }
0x17: {  	s13 =	simm.s32 $0x64;
	s11 =	sadd.s32 $0x320, s5;
	[sflag:s7] =	ssyncset.done $0x0  }
.LBB2_2:
0x18: {  	s14 =	sadd.s32 s12, s6  }
0x19: {  	[sflag:s7] =	ssyncadd.s32 $0xFFFFE700;
	s12 =	smov.u32 s13;
	s15 =	sadd.s32 $0x32, s13  }
0x1a: {  	[tilespmem:s2], [sflag:$0x2] =	stream.linear.gather [hbm4b:s14+s2], $0x190, $0x38;
	[tilespmem:$0x1A90] =	vst v63  }
0x1b: {  	p0 =	sne.s32 s13, $0x4B0;
	_ =	swait.ge [sflag:s7], $0x190  }
0x1c: {  	[sflag:s7] =	ssyncset.done $0x0  }
0x1d: {  	[sflag:s7] =	ssyncadd.s32 $0xFFFFFE70  }
0x1e: {  	[tilespmem:s8], [sflag:$0x1] =	stream.indirect.gather [hbm4b:s3+s8], $0x10, s2, s8, $0xb8;
	[tilespmem:$0x1A90] =	vst v63  }
0x1f: {  	_ =	swait.ge [sflag:s9], $0x1900  }
.Ltmp0:
0x20: {  	[sflag:s9] =	ssyncset.done $0x0;
	(pc) =	sbr.rel @p0 .LBB2_2-.Ltmp0, $4  }
0x21: {  	[sflag:s9] =	ssyncadd.s32 $0xFFFFE700  }
0x22: {  	[hbm4b:s11+s2] =	stream.linear.scatter [tilespmem:s8], [sflag:$0x2], $0x1900, $0x38;
	[tilespmem:$0x1A90] =	vst v63  }
0x23: {  	_ =	swait.ge [sflag:s7], $0x1900  }
0x24: {  	s13 =	smov.u32 s15;
	s11 =	sadd.s32 $0x320, s11;
	[sflag:s7] =	ssyncset.done $0x0  }
0x25: {  	s12 =	sadd.s32 s12, s6;
	[sflag:s7] =	ssyncadd.s32 $0xFFFFE700  }
0x26: {  	[tilespmem:s2], [sflag:$0x2] =	stream.linear.gather [hbm4b:s12+s2], $0x190, $0x38;
	[tilespmem:$0x1A90] =	vst v63  }
0x27: {  	_ =	swait.ge [sflag:s7], $0x190  }
0x28: {  	[sflag:s7] =	ssyncset.done $0x0  }
0x29: {  	[sflag:s7] =	ssyncadd.s32 $0xFFFFFE70  }
0x2a: {  	[tilespmem:s8], [sflag:$0x1] =	stream.indirect.gather [hbm4b:s3+s8], $0x10, s2, s8, $0xb8;
	[tilespmem:$0x1A90] =	vst v63  }
0x2b: {  	s10 =	sadd.s32 $0x1, s10;
	_ =	swait.ge [sflag:s9], $0x1900  }
0x2c: {  	p0 =	sne.s32 s10, s4;
	[sflag:s9] =	ssyncset.done $0x0  }
.Ltmp1:
0x2d: {  	[sflag:s9] =	ssyncadd.s32 $0xFFFFE700;
	(pc) =	sbr.rel @p0 .LBB2_1-.Ltmp1, $4  }
0x2e: {  	[hbm4b:s11+s2] =	stream.linear.scatter [tilespmem:s8], [sflag:$0x2], $0x1900, $0x38;
	[tilespmem:$0x1A90] =	vst v63  }
0x2f: {  	_ =	swait.ge [sflag:s7], $0x1900  }
0x30: {  	[sflag:s7] =	ssyncset.done $0x0  }
0x31: {  	[sflag:s7] =	ssyncadd.s32 $0xFFFFE700  }
0x32: {  	_ =	sfence.sel $0x180000  }
0x33: {  	[bflag:$0x0] =	sbarrier.arrive $0xFFFF  }
0x34: {  	p0 =	sne.s32 s1, $0x0;
	_ =	strace $0x9000004A  }
0x35: {  	s0 =	sadd.s32 @!p0 $0x100000, s0;
	[bflag:$0x2] =	sbarrier.arrive $0xFFFF  }
0x36: {  	[sflag:s0] =	ssyncadd.tile.s32 @!p0 $0x1;
	_ =	shalt  }
.Lfunc_end2:
_tile_overlayer_lowered:
.L_overlay_start_2:
0x37: {  	(tag) =	ssettag $0x2  }
0x38: {  	s0 =	rddreg [dreg:$0x0];
	s2 =	stileid.u32  }
0x39: {  	s1 =	rddreg [dreg:$0x1];
	p0 =	sne.s32 s2, $0x0  }
0x3a: {  	s3 =	rddreg [dreg:$0x2];
	[bflag:$0x3] =	sbarrier.arrive $0xFFFF;
	s2 =	simm.s32 @!p0 $0x1C02  }
0x3b: {  	[timem:s3], [sflag:s2] =	dma.local @!p0 [hbm:s0], s1  }
0x3c: {  	s0 =	simm.s32 @!p0 $0x2  }
0x3d: {  	_ =	swait.ge @!p0 [sflag:s0], s1  }
0x3e: {  	s1 =	ssub.s32 @!p0 $0x0, s1;
	[sflag:s0] =	ssyncset.done @!p0 $0x0  }
0x3f: {  	[sflag:s0] =	ssyncadd.s32 @!p0 s1  }
0x40: {  	[bflag:$0x3] =	sbarrier.arrive $0xFFFF  }
0x41: {  	_ =	shalt  }

// kernel: sparse-core-data-format-call.1.cloned.1.call-start
scs
called_computation.1_lowered:
.L_overlay_start_0:
0x0: {  	s2 =	sld [smem:$0x3FD9]  }
0x1: {  	s3 =	sld [smem:$0x3FFE];
	_ =	sdelay $0x1  }
0x2: {  	s1 =	srdreg.scid  }
0x3: {  	s0 =	sand.u32 $0x1, s1  }
0x4: {  	s18 =	sshll.u32 s0, $0xA;
	s2 =	sadd.s32 s3, s2  }
0x5: {  	s2 =	sadd.s32 s2, s18  }
0x6: {  	[smem:$0x3FBE] =	sst s2  }
0x7: {  	_ = 	snop  }
0x8: {  	(tm) =	ssettm $0x1  }
0x9: {  	s19 =	sld [smem:$0x3FFB];
	_ =	sdelay $0x3  }
0xa: {  	_ =	strace s19  }
0xb: {  	s2 =	sld [smem:$0x3FFC];
	_ =	sdelay $0x3  }
0xc: {  	_ =	strace s2  }
0xd: {  	s2 =	sld [smem:$0x3FFD];
	_ =	sdelay $0x3  }
0xe: {  	_ =	strace s2  }
0xf: {  	_ =	strace $0x8FFFFFFF  }
0x10: {  	s20 =	sld [smem:$0x3FDB];
	_ =	sdelay $0x1  }
0x11: {  	s21 =	simm.s32 $_scs_section_size  }
0x12: {  	s4 =	simm.s32 $_size__tile_overlayer_lowered;
	s5 =	simm.s32 $_tile_overlayer_lowered  }
0x13: {  	s6 =	simm.s32 $0x1BFF;
	s22 =	sshll.u32 s5, $0x1;
	s3 =	sadd.s32 s21, s20  }
0x14: {  	s23 =	simm.s32 $0x0;
	s4 =	sshll.u32 s4, $0x1;
	s5 =	sadd.s32 s22, s3  }
0x15: {  	[timem:s23], [sflag:s6] =	dma.local [hbm:s5], s4  }
0x16: {  	_ =	swait.ge [sflag:s6], s4  }
0x17: {  	s4 =	ssub.s32 $0x0, s4;
	[sflag:s6] =	ssyncset.done $0x0  }
0x18: {  	[sflag:s6] =	ssyncadd.s32 s4;
	_ =	sdelay $0x1  }
0x19: {  	s24 =	simm.s32 $0x1B8B  }
0x1a: {  	_ =	swait.ge [sflag:s24], $0x1  }
0x1b: {  	[sflag:s24] =	ssyncset.done $0x0  }
0x1c: {  	[sflag:s24] =	ssyncadd.s32 $0xFFFFFFFF  }
0x1d: {  	s4 =	sld [smem:$0x0]  }
0x1e: {  	s5 =	sand.u32 $0xFFFFFFFE, s1  }
0x1f: {  	p0 =	sne.s32 s1, s5  }
0x20: {  	s5 =	sshll.u32 @p0 s5, $0xE  }
0x21: {  	s5 =	sadd.s32 @p0 $0x11B8D, s5;
	s6 =	sshll.u32 @p0 s4, $0x11  }
0x22: {  	s5 =	sor.u32 @p0 s6, s5  }
0x23: {  	[sflag:s5] =	ssyncadd.remote.s32 @p0 $0x1;
	_ =	sdelay $0x1  }
0x24: {  	s5 =	simm.s32 @p0 $0x1B8D  }
0x25: {  	_ =	swait.eq @p0 [sflag:s5], $0x1  }
0x26: {  	[sflag:s5] =	ssyncadd.s32 @p0 $0xFFFFFFFF  }
0x27: {  	s6 =	sshll.u32 @!p0 s1, $0xE  }
0x28: {  	s6 =	sor.u32 @!p0 $0x4000, s6;
	s5 =	simm.s32 @!p0 $0x1B8D  }
0x29: {  	s4 =	sshll.u32 @!p0 s4, $0x11;
	s6 =	sadd.s32 @!p0 $0x11B8D, s6;
	_ =	swait.eq @!p0 [sflag:s5], $0x1  }
0x2a: {  	s4 =	sor.u32 @!p0 s4, s6;
	[sflag:s5] =	ssyncadd.s32 @!p0 $0xFFFFFFFF  }
0x2b: {  	s26 =	simm.s32 $0x1B8E;
	s25 =	sld [smem:$0x3FFE];
	[sflag:s4] =	ssyncadd.remote.s32 @!p0 $0x1  }
0x2c: {  	s27 =	simm.s32 $execute0_lowered;
	[smem:$0x3FD2] =	sst s26  }
0x2d: {  	s5 =	sshll.u32 s27, $0x1;
	_ =	strace $0x8000004F;
	[dreg:$0x1] =	wrdreg $0xFFFFFFFF  }
0x2e: {  	s28 =	simm.s32 $_size_execute0_lowered;
	s3 =	sadd.s32 s3, s5;
	[dreg:$0x0] =	wrdreg $0x0  }
0x2f: {  	s5 =	sshll.u32 s28, $0x1;
	[dreg:$0x2] =	wrdreg s3  }
0x30: {  	[dreg:$0x3] =	wrdreg s5  }
0x31: {  	[dreg:$0x4] =	wrdreg $0xC0  }
0x32: {  	_ =	task [dreg:s23], $0x5FFFF  }
0x33: {  	[dreg:$0x1] =	wrdreg $0xFFFFFFFF  }
0x34: {  	[dreg:$0x0] =	wrdreg $0x60  }
0x35: {  	[dreg:$0x2] =	wrdreg s25  }
0x36: {  	[dreg:$0x3] =	wrdreg $0xB  }
0x37: {  	_ =	task.clear_ibuf [dreg:s23], $0x4FFFF;
	_ =	strace $0x9000004F  }
0x38: {  	s29 =	simm.s32 $0xB;
	_ =	strace $0x80000051  }
0x39: {  	_ =	swait.ge [sflag:s29], $0x1  }
0x3a: {  	[sflag:s29] =	ssyncadd.s32 $0xFFFFFFFF  }
0x3b: {  	_ =	strace $0x90000051  }
0x3c: {  	_ =	sfence  }
0x3d: {  	s30 =	sld [smem:$0x0];
	_ =	sdelay $0x2  }
0x3e: {  	s31 =	sshll.u32 s1, $0xD;
	s1 =	sshrl.u32 s1, $0x2  }
0x3f: {  	s4 =	sand.u32 $0x4000, s31;
	s1 =	sadd.s32 s1, s30  }
0x40: {  	s0 =	sor.u32 s4, s0;
	s1 =	sshll.u32 s1, $0x11  }
0x41: {  	s0 =	sor.u32 s1, s0  }
0x42: {  	s0 =	sadd.s32 $0x8F2B, s0  }
0x43: {  	[sflag:s0] =	ssyncadd.remote.s32 $0x1  }
0x44: {  	_ =	sfence.sel $0xFFFF  }
0x45: {  	[dreg:$0x0] =	wrdreg $0xFFFFFFFF;
	(pc) =	sbr.abs _section_cstart, $3  }
0x46: {  	[dreg:$0x1] =	wrdreg $0xFFFFFFFF  }
0x47: {  	_ =	task.clear_ibuf [dreg:s23], $0x2FFFF;
	_ =	strace $0x9FFFFFFF  }
0x48: {  	(tm) =	ssettm $0x7FFFFFFF  }
0x49: {  	_ =	shalt  }
tec
execute0_lowered:
.L_overlay_start_1:
0x0: {  	(tag) =	ssettag $0x1  }
0x1: {  	s0 =	srdreg.scid  }
0x2: {  	s6 =	rddreg [dreg:$0x0];
	s7 =	simm.s32 $0x1;
	s1 =	sshll.u32 s0, $0x4  }
0x3: {  	s8 =	simm.s32 $0x2;
	s0 =	stileid.u32;
	s1 =	sand.u32 $0x10, s1  }
0x4: {  	s13 =	simm.s32 $0x0;
	s12 =	simm.s32 $0x0;
	s1 =	sor.u32 s0, s1  }
0x5: {  	s10 =	simm.s32 $0x0;
	s11 =	simm.s32 $0x0;
	s2 =	sshll.u32 s1, $0x9  }
0x6: {  	s3 =	sadd.s32 $0x144000, s6;
	s6 =	sadd.s32 $0x27C800, s6;
	s5 =	ssub.s32 $0x4E200, s2  }
.Ltmp0:
0x7: {  	s1 =	rddreg [dreg:$0x1];
	s4 =	sand.u32 $0x3E00, s5;
	(pc) =	sbr.rel .LBB1_1-.Ltmp0, $4  }
0x8: {  	_ =	strace $0x80000050;
	s9 =	smov.u32 s2;
	p0 =	sne.s32 s4, $0x0  }
0x9: {  	s5 =	sshrl.u32 s5, $0xE;
	s4 =	simm.s32 $0x1;
	s7 =	simm.s32 @!p0 $0x0  }
0xa: {  	[sflag:s4] =	ssyncpa.u1 $0x0;
	p0 =	por $0x0, $0x0;
	s5 =	sadd.s32 s7, s5  }
0xb: {  	[sflag:s8] =	ssyncpa.u1 $0x0;
	s8 =	simm.s32 $0x80;
	s7 =	sadd.s32 $0x1, s5  }
.LBB1_4:
0xc: {  	_ = 	snop  }
0xd: {  	[tilespmem:s18+$0x2D60 ss:$0x21] =	vst.msk $0xffff, v7  }
0xe: {  	[tilespmem:s18+$0x2F70 ss:$0x21] =	vst.msk $0xffff, v6  }
0xf: {  	[tilespmem:s18+$0x3390 ss:$0x21] =	vst.msk $0xffff, v3  }
0x10: {  	s21 =	sor.u32 s24, s23;
	v31 =	vld.idx.msk [tilespmem:v0+s16+$0xC70 ss:$0x1], $0xffff;
	[tilespmem:s18+$0x35A0 ss:$0x21] =	vst.msk $0xffff, v1  }
0x11: {  	[tilespmem:s18+$0x37B0 ss:$0x21] =	vst.msk $0xffff, v2;
	v43 =	vld.idx.msk [tilespmem:v0+s21+$0x410 ss:$0x1], $0xffff  }
0x12: {  	[tilespmem:s18+$0x39C0 ss:$0x21] =	vst.msk $0xffff, v4;
	v44 =	vld.idx.msk [tilespmem:v0+s21+$0x420 ss:$0x1], $0xffff  }
0x13: {  	[tilespmem:s18+$0x3BD0 ss:$0x21] =	vst.msk $0xffff, v5;
	s22 =	sand.u32 $0x3200, s21;
	v45 =	vld.idx.msk [tilespmem:v0+s21+$0x430 ss:$0x1], $0xffff  }
0x14: {  	s20 =	sand.u32 $0x180, s20;
	s25 =	sshra.s32 s19, $0x2;
	[tilespmem:s18+$0x3DE0 ss:$0x21] =	vst.msk $0xffff, v8;
	v46 =	vld.idx.msk [tilespmem:v0+s21+$0x440 ss:$0x1], $0xffff;
	s15 =	sadd.s32 s22, s15  }
0x15: {  	v47 =	vld.idx.msk [tilespmem:v0+s21+$0x450 ss:$0x1], $0xffff;
	s24 =	sadd.s32 s20, s15;
	s15 =	sadd.s32 s25, s17;
	[tilespmem:s18+$0x3FF0 ss:$0x21] =	vst.msk $0xffff, v31  }
0x16: {  	v48 =	vld.idx.msk [tilespmem:v0+s21+$0x460 ss:$0x1], $0xffff;
	[tilespmem:s15+$0x1290 ss:$0x21] =	vst.msk $0xffff, v43  }
0x17: {  	v49 =	vld.idx.msk [tilespmem:v0+s21+$0x470 ss:$0x1], $0xffff;
	[tilespmem:s15+$0x14A0 ss:$0x21] =	vst.msk $0xffff, v44  }
0x18: {  	v50 =	vld.idx.msk [tilespmem:v0+s21+$0x810 ss:$0x1], $0xffff;
	[tilespmem:s15+$0x16B0 ss:$0x21] =	vst.msk $0xffff, v45  }
0x19: {  	v51 =	vld.idx.msk [tilespmem:v0+s21+$0x820 ss:$0x1], $0xffff;
	[tilespmem:s15+$0x18C0 ss:$0x21] =	vst.msk $0xffff, v46  }
0x1a: {  	v52 =	vld.idx.msk [tilespmem:v0+s21+$0x830 ss:$0x1], $0xffff;
	[tilespmem:s15+$0x1AD0 ss:$0x21] =	vst.msk $0xffff, v47  }
0x1b: {  	v53 =	vld.idx.msk [tilespmem:v0+s21+$0x840 ss:$0x1], $0xffff;
	[tilespmem:s15+$0x1CE0 ss:$0x21] =	vst.msk $0xffff, v48  }
0x1c: {  	v54 =	vld.idx.msk [tilespmem:v0+s21+$0x850 ss:$0x1], $0xffff;
	[tilespmem:s15+$0x1EF0 ss:$0x21] =	vst.msk $0xffff, v49  }
0x1d: {  	v55 =	vld.idx.msk [tilespmem:v0+s21+$0x860 ss:$0x1], $0xffff;
	[tilespmem:s15+$0x2310 ss:$0x21] =	vst.msk $0xffff, v50  }
0x1e: {  	v56 =	vld.idx.msk [tilespmem:v0+s21+$0x870 ss:$0x1], $0xffff;
	[tilespmem:s15+$0x2520 ss:$0x21] =	vst.msk $0xffff, v51  }
0x1f: {  	v57 =	vld.idx.msk [tilespmem:v0+s21+$0xC10 ss:$0x1], $0xffff;
	[tilespmem:s15+$0x2730 ss:$0x21] =	vst.msk $0xffff, v52  }
0x20: {  	v58 =	vld.idx.msk [tilespmem:v0+s21+$0xC20 ss:$0x1], $0xffff;
	[tilespmem:s15+$0x2940 ss:$0x21] =	vst.msk $0xffff, v53  }
0x21: {  	v59 =	vld.idx.msk [tilespmem:v0+s21+$0xC30 ss:$0x1], $0xffff;
	[tilespmem:s15+$0x2B50 ss:$0x21] =	vst.msk $0xffff, v54  }
0x22: {  	v60 =	vld.idx.msk [tilespmem:v0+s21+$0xC40 ss:$0x1], $0xffff;
	[tilespmem:s15+$0x2D60 ss:$0x21] =	vst.msk $0xffff, v55  }
0x23: {  	v61 =	vld.idx.msk [tilespmem:v0+s21+$0xC50 ss:$0x1], $0xffff;
	[tilespmem:s15+$0x2F70 ss:$0x21] =	vst.msk $0xffff, v56  }
0x24: {  	v62 =	vld.idx.msk [tilespmem:v0+s21+$0xC60 ss:$0x1], $0xffff;
	[tilespmem:s15+$0x3390 ss:$0x21] =	vst.msk $0xffff, v57  }
0x25: {  	v63 =	vld.idx.msk [tilespmem:v0+s21+$0xC70 ss:$0x1], $0xffff;
	[tilespmem:s15+$0x35A0 ss:$0x21] =	vst.msk $0xffff, v58  }
0x26: {  	v32 =	vld [tilespmem:s24+$0xC00];
	[tilespmem:s15+$0x37B0 ss:$0x21] =	vst.msk $0xffff, v59  }
0x27: {  	v33 =	vld [tilespmem:s24+$0x0];
	[tilespmem:s15+$0x39C0 ss:$0x21] =	vst.msk $0xffff, v60  }
0x28: {  	v34 =	vld [tilespmem:s24+$0x10];
	[tilespmem:s15+$0x3BD0 ss:$0x21] =	vst.msk $0xffff, v61  }
0x29: {  	s13 =	sshll.u32 s13, $0x7;
	s26 =	sshll.u32 s12, $0x3;
	v35 =	vld [tilespmem:s24+$0x20];
	[tilespmem:s15+$0x3DE0 ss:$0x21] =	vst.msk $0xffff, v62  }
0x2a: {  	s27 =	sand.u32 $0xFFFFFC00, s13;
	s16 =	sand.u32 $0xFFFFFC00, s26;
	v36 =	vld [tilespmem:s24+$0x30];
	[tilespmem:s15+$0x3FF0 ss:$0x21] =	vst.msk $0xffff, v63  }
0x2b: {  	s13 =	sand.u32 $0x380, s13;
	s16 =	sadd.s32 s16, s27;
	v37 =	vld [tilespmem:s24+$0x40];
	[tilespmem:s15+$0x3180 ss:$0x21] =	vst.msk $0xffff, v32  }
0x2c: {  	s13 =	sor.u32 s13, s16;
	v38 =	vld [tilespmem:s24+$0x50];
	[tilespmem:s15+$0x0 ss:$0x21] =	vst.msk $0xffff, v33  }
0x2d: {  	v39 =	vld [tilespmem:s24+$0x60];
	s13 =	sshrl.u32 s13, $0x7;
	[tilespmem:s15+$0x210 ss:$0x21] =	vst.msk $0xffff, v34  }
0x2e: {  	v40 =	vld [tilespmem:s24+$0x70];
	s28 =	smulhi.u32 $0x1A36E2F, s13;
	[tilespmem:s15+$0x420 ss:$0x21] =	vst.msk $0xffff, v35  }
0x2f: {  	v41 =	vld [tilespmem:s24+$0x400];
	[tilespmem:s15+$0x630 ss:$0x21] =	vst.msk $0xffff, v36  }
0x30: {  	v42 =	vld [tilespmem:s24+$0x800];
	s16 =	sshrl.u32 s28, $0xB;
	[tilespmem:s15+$0x840 ss:$0x21] =	vst.msk $0xffff, v37  }
0x31: {  	s16 =	smul.u32 $0x4E200, s16;
	[tilespmem:s15+$0xA50 ss:$0x21] =	vst.msk $0xffff, v38  }
0x32: {  	s29 =	sshrl.u32 s12, $0x3;
	[tilespmem:s15+$0xC60 ss:$0x21] =	vst.msk $0xffff, v39  }
0x33: {  	s31 =	sand.u32 $0x7, s12;
	s30 =	sand.u32 $0xF, s29;
	[tilespmem:s15+$0xE70 ss:$0x21] =	vst.msk $0xffff, v40;
	s13 =	ssub.s32 s13, s16  }
0x34: {  	s12 =	sshll.u32 s31, $0x12;
	[tilespmem:s15+$0x1080 ss:$0x21] =	vst.msk $0xffff, v41;
	s16 =	sadd.s32 s6, s30;
	s13 =	sshll.u32 s13, $0x4  }
0x35: {  	s12 =	sor.u32 $0x20, s12;
	[tilespmem:s15+$0x2100 ss:$0x21] =	vst.msk $0xffff, v42;
	s13 =	sadd.s32 s13, s16  }
0x36: {  	[hbm4b:s13+s12] =	stream.strided.scatter [tilespmem:s14], [sflag:$0x2], $0x4000, s8, s12, $0x10;
	[tilespmem:$0x10400] =	vst v63  }
.LBB1_5:
0x37: {  	s14 =	sadd.s32 $0x4000, s9  }
0x38: {  	s12 =	sadd.s32 $0x20, s10;
	s16 =	smov.u32 s10;
	p2 =	sgt.s32 s14, $0x4E1FF  }
0x39: {  	s16 =	smov.u32 @p2 s12  }
0x3a: {  	s14 =	smov.u32 @p2 s2;
	p2 =	sgt.s32 s16, $0x1F  }
0x3b: {  	s16 =	simm.s32 @p2 $0x0;
	p2 =	sne.s32 s11, s7  }
.Ltmp1:
0x3c: {  	p1 =	slt.u32 s11, $0x2;
	(pc) =	sbr.rel @!p2 .LBB1_6-.Ltmp1, $4  }
0x3d: {  	s15 =	simm.s32 @!p1 $0x2  }
0x3e: {  	s13 =	smov.u32 s9;
	p0 =	por !p0, !p0;
	_ =	swait.ge @!p1 [sflag:s15], $0x4000  }
0x3f: {  	s12 =	smov.u32 s10;
	[sflag:s15] =	ssyncset.done @!p1 $0x0;
	s9 =	smov.u32 s14  }
0x40: {  	s11 =	sadd.s32 $0x1, s11;
	[sflag:s15] =	ssyncadd.s32 @!p1 $0xFFFFC000;
	s10 =	smov.u32 s16  }
.LBB1_1:
0x41: {  	p1 =	sge.u32 s11, s5  }
0x42: {  	s14 =	sshrl.u32 @!p1 s10, $0x3  }
0x43: {  	s15 =	sshll.u32 @!p1 s9, $0x3;
	s14 =	smul.u32 @!p1 $0x271000, s14  }
0x44: {  	s16 =	sshll.u32 @!p1 s10, $0x7;
	s15 =	sand.u32 @!p1 $0xFFFFFC00, s15  }
0x45: {  	s14 =	sadd.s32 @!p1 s14, s15;
	s15 =	sand.u32 @!p1 $0x380, s16  }
0x46: {  	s16 =	sand.u32 @!p1 $0x7F, s9;
	s14 =	sor.u32 @!p1 s15, s14  }
0x47: {  	s15 =	sor.u32 @!p1 s16, s14  }
0x48: {  	s16 =	smulhi.u32 @!p1 $0xD1B71759, s15;
	_ =	sdelay $0x1  }
0x49: {  	s14 =	smulhi.u32 @!p1 $0xD1B71759, s14;
	s16 =	sshrl.u32 @!p1 s16, $0x12  }
0x4a: {  	s16 =	smul.u32 @!p1 $0x4E200, s16  }
0x4b: {  	s31 =	sadd.s32 $0xFFFFFFFF, s11;
	s17 =	sxor.u32 @!p1 $0xFFFFFFFF, s11;
	s14 =	sshrl.u32 @!p1 s14, $0x12  }
0x4c: {  	s17 =	sshll.u32 @!p1 s17, $0xE;
	s14 =	sand.u32 @!p1 $0x1F, s14;
	s15 =	ssub.s32 @!p1 s15, s16  }
0x4d: {  	s14 =	smul.u32 @!p1 $0x9C40, s14;
	s16 =	sshrl.u32 @!p1 s15, $0x3;
	s15 =	sand.u32 @!p1 $0x7, s15  }
0x4e: {  	s17 =	sand.u32 @!p1 $0x4000, s17;
	s16 =	sadd.s32 @!p1 s3, s16;
	s15 =	sshll.u32 @!p1 s15, $0x12  }
0x4f: {  	s14 =	sadd.s32 @!p1 s14, s16;
	s15 =	sor.u32 @!p1 $0x1000, s15;
	s16 =	simm.s32 @!p1 $0x271000  }
0x50: {  	[tilespmem:s17], [sflag:$0x1] =	stream.strided.gather @!p1 [hbm4b:s14+s15], $0x4000, s16, s15, $0x38;
	[tilespmem:$0x10400] =	vst v63  }
0x51: {  	p1 =	sge.u32 s31, s5  }
.Ltmp2:
0x52: {  	_ = 	snop;
	(pc) =	sbr.rel @p1 .LBB1_5-.Ltmp2, $1  }
0x53: {  	_ =	sdelay $0x3  }
0x54: {  	s17 =	simm.s32 $0x0  }
0x55: {  	s16 =	sand.u32 $0x3000, s17;
	s18 =	sand.u32 $0x380, s17  }
0x56: {  	s14 =	sand.u32 $0x1, s11;
	s16 =	sor.u32 s18, s16  }
0x57: {  	_ =	swait.ge [sflag:s4], $0x4000;
	s15 =	sshll.u32 s14, $0xE;
	s18 =	sand.u32 $0x3200, s16  }
0x58: {  	[sflag:s4] =	ssyncset.done $0x0;
	s17 =	sand.u32 $0x180, s17;
	s18 =	sadd.s32 s18, s15  }
0x59: {  	[sflag:s4] =	ssyncadd.s32 $0xFFFFC000;
	s20 =	sadd.s32 s17, s18  }
0x5a: {  	v4 =	vld [tilespmem:s20+$0xC00]  }
0x5b: {  	s19 =	simm.s32 $0x1;
	v0 =	vmov s15;
	v5 =	vld [tilespmem:s20+$0x0]  }
0x5c: {  	s19 =	simm.s32 @!p0 $0x0;
	v6 =	vld [tilespmem:s20+$0x10]  }
0x5d: {  	s31 =	smul.u32 $0x10800, s19;
	v7 =	vld [tilespmem:s20+$0x20]  }
0x5e: {  	v8 =	vld [tilespmem:s20+$0x30]  }
0x5f: {  	s17 =	sshrl.u32 s31, $0x2;
	v9 =	vld [tilespmem:s20+$0x40]  }
0x60: {  	s17 =	sor.u32 $0x8000, s17;
	v1 =	vld.idx.msk [tilespmem:v0+s16+$0x410 ss:$0x1], $0xffff  }
0x61: {  	v2 =	vld.idx.msk [tilespmem:v0+s16+$0x420 ss:$0x1], $0xffff;
	s18 =	sadd.s32 $0x0, s17  }
0x62: {  	v3 =	vld.idx.msk [tilespmem:v0+s16+$0x430 ss:$0x1], $0xffff;
	[tilespmem:s18+$0x3180 ss:$0x21] =	vst.msk $0xffff, v4  }
0x63: {  	v10 =	vld.idx.msk [tilespmem:v0+s16+$0x820 ss:$0x1], $0xffff;
	[tilespmem:s18+$0x0 ss:$0x21] =	vst.msk $0xffff, v5  }
0x64: {  	v11 =	vld.idx.msk [tilespmem:v0+s16+$0x830 ss:$0x1], $0xffff;
	[tilespmem:s18+$0x210 ss:$0x21] =	vst.msk $0xffff, v6  }
0x65: {  	v12 =	vld.idx.msk [tilespmem:v0+s16+$0x840 ss:$0x1], $0xffff;
	[tilespmem:s18+$0x420 ss:$0x21] =	vst.msk $0xffff, v7  }
0x66: {  	v13 =	vld.idx.msk [tilespmem:v0+s16+$0x850 ss:$0x1], $0xffff;
	[tilespmem:s18+$0x630 ss:$0x21] =	vst.msk $0xffff, v8  }
0x67: {  	v4 =	vld [tilespmem:s20+$0x50];
	[tilespmem:s18+$0x840 ss:$0x21] =	vst.msk $0xffff, v9  }
0x68: {  	v5 =	vld [tilespmem:s20+$0x60];
	[tilespmem:s18+$0x1290 ss:$0x21] =	vst.msk $0xffff, v1  }
0x69: {  	v6 =	vld [tilespmem:s20+$0x70];
	[tilespmem:s18+$0x14A0 ss:$0x21] =	vst.msk $0xffff, v2  }
0x6a: {  	v7 =	vld [tilespmem:s20+$0x400];
	[tilespmem:s18+$0x16B0 ss:$0x21] =	vst.msk $0xffff, v3  }
0x6b: {  	v8 =	vld [tilespmem:s20+$0x800];
	[tilespmem:s18+$0x2520 ss:$0x21] =	vst.msk $0xffff, v10  }
0x6c: {  	v9 =	vld.idx.msk [tilespmem:v0+s16+$0x470 ss:$0x1], $0xffff;
	[tilespmem:s18+$0x2730 ss:$0x21] =	vst.msk $0xffff, v11  }
0x6d: {  	v3 =	vld.idx.msk [tilespmem:v0+s16+$0xC10 ss:$0x1], $0xffff;
	[tilespmem:s18+$0x2940 ss:$0x21] =	vst.msk $0xffff, v12  }
0x6e: {  	v1 =	vld.idx.msk [tilespmem:v0+s16+$0xC20 ss:$0x1], $0xffff;
	[tilespmem:s18+$0x2B50 ss:$0x21] =	vst.msk $0xffff, v13  }
0x6f: {  	v2 =	vld.idx.msk [tilespmem:v0+s16+$0xC30 ss:$0x1], $0xffff;
	[tilespmem:s18+$0xA50 ss:$0x21] =	vst.msk $0xffff, v4  }
0x70: {  	[tilespmem:s18+$0xE70 ss:$0x21] =	vst.msk $0xffff, v6;
	v6 =	vld.idx.msk [tilespmem:v0+s16+$0x460 ss:$0x1], $0xffff  }
0x71: {  	v4 =	vld.idx.msk [tilespmem:v0+s16+$0x440 ss:$0x1], $0xffff;
	[tilespmem:s18+$0xC60 ss:$0x21] =	vst.msk $0xffff, v5  }
0x72: {  	v5 =	vld.idx.msk [tilespmem:v0+s16+$0x450 ss:$0x1], $0xffff;
	[tilespmem:s18+$0x1080 ss:$0x21] =	vst.msk $0xffff, v7  }
0x73: {  	[tilespmem:s18+$0x2100 ss:$0x21] =	vst.msk $0xffff, v8;
	v8 =	vld.idx.msk [tilespmem:v0+s16+$0x810 ss:$0x1], $0xffff  }
0x74: {  	v7 =	vld.idx.msk [tilespmem:v0+s16+$0x860 ss:$0x1], $0xffff;
	[tilespmem:s18+$0x1EF0 ss:$0x21] =	vst.msk $0xffff, v9  }
0x75: {  	s14 =	smul.u32 $0x10800, s14;
	[tilespmem:s18+$0x1CE0 ss:$0x21] =	vst.msk $0xffff, v6;
	v6 =	vld.idx.msk [tilespmem:v0+s16+$0x870 ss:$0x1], $0xffff  }
0x76: {  	s21 =	simm.s32 $0x200;
	s22 =	simm.s32 $0x8;
	[tilespmem:s18+$0x18C0 ss:$0x21] =	vst.msk $0xffff, v4;
	v4 =	vld.idx.msk [tilespmem:v0+s16+$0xC40 ss:$0x1], $0xffff  }
0x77: {  	s23 =	sand.u32 $0x3000, s21;
	s14 =	sshrl.u32 s14, $0x2;
	s20 =	simm.s32 $0x80;
	[tilespmem:s18+$0x1AD0 ss:$0x21] =	vst.msk $0xffff, v5;
	v5 =	vld.idx.msk [tilespmem:v0+s16+$0xC50 ss:$0x1], $0xffff  }
0x78: {  	s19 =	simm.s32 $0x4;
	s14 =	sor.u32 $0x8000, s14;
	s24 =	sand.u32 $0x380, s20;
	[tilespmem:s18+$0x2310 ss:$0x21] =	vst.msk $0xffff, v8;
	v8 =	vld.idx.msk [tilespmem:v0+s16+$0xC60 ss:$0x1], $0xffff  }
.LBB1_3:
0x79: {  	p1 =	sne.s32 s22, $0x7C;
	[tilespmem:s18+$0x2D60 ss:$0x21] =	vst.msk $0xffff, v7;
	v7 =	vld.idx.msk [tilespmem:v0+s16+$0xC70 ss:$0x1], $0xffff;
	s16 =	sor.u32 s24, s23  }
0x7a: {  	s23 =	sand.u32 $0x3200, s16;
	v9 =	vld.idx.msk [tilespmem:v0+s16+$0x410 ss:$0x1], $0xffff;
	[tilespmem:s18+$0x2F70 ss:$0x21] =	vst.msk $0xffff, v6  }
0x7b: {  	s24 =	sand.u32 $0x180, s20;
	s23 =	sadd.s32 s23, s15;
	v6 =	vld.idx.msk [tilespmem:v0+s16+$0x420 ss:$0x1], $0xffff;
	[tilespmem:s18+$0x3390 ss:$0x21] =	vst.msk $0xffff, v3  }
0x7c: {  	s23 =	sadd.s32 s24, s23;
	v3 =	vld.idx.msk [tilespmem:v0+s16+$0x430 ss:$0x1], $0xffff;
	[tilespmem:s18+$0x35A0 ss:$0x21] =	vst.msk $0xffff, v1  }
0x7d: {  	v1 =	vld [tilespmem:s23+$0xC00];
	[tilespmem:s18+$0x37B0 ss:$0x21] =	vst.msk $0xffff, v2  }
0x7e: {  	v2 =	vld [tilespmem:s23+$0x0];
	[tilespmem:s18+$0x39C0 ss:$0x21] =	vst.msk $0xffff, v4  }
0x7f: {  	v4 =	vld [tilespmem:s23+$0x10];
	[tilespmem:s18+$0x3BD0 ss:$0x21] =	vst.msk $0xffff, v5  }
0x80: {  	s24 =	sshra.s32 s19, $0x2;
	s19 =	smov.u32 s22;
	v5 =	vld [tilespmem:s23+$0x20];
	[tilespmem:s18+$0x3DE0 ss:$0x21] =	vst.msk $0xffff, v8  }
0x81: {  	v8 =	vld [tilespmem:s23+$0x30];
	[tilespmem:s18+$0x3FF0 ss:$0x21] =	vst.msk $0xffff, v7;
	s18 =	sadd.s32 s24, s17  }
0x82: {  	v7 =	vld [tilespmem:s23+$0x40];
	[tilespmem:s18+$0x3180 ss:$0x21] =	vst.msk $0xffff, v1  }
0x83: {  	[tilespmem:s18+$0x0 ss:$0x21] =	vst.msk $0xffff, v2;
	v1 =	vld [tilespmem:s23+$0x50]  }
0x84: {  	[tilespmem:s18+$0x210 ss:$0x21] =	vst.msk $0xffff, v4;
	v2 =	vld [tilespmem:s23+$0x60]  }
0x85: {  	[tilespmem:s18+$0x420 ss:$0x21] =	vst.msk $0xffff, v5;
	v4 =	vld [tilespmem:s23+$0x70]  }
0x86: {  	[tilespmem:s18+$0x630 ss:$0x21] =	vst.msk $0xffff, v8;
	v5 =	vld [tilespmem:s23+$0x400]  }
0x87: {  	[tilespmem:s18+$0x840 ss:$0x21] =	vst.msk $0xffff, v7;
	v7 =	vld [tilespmem:s23+$0x800]  }
0x88: {  	[tilespmem:s18+$0xA50 ss:$0x21] =	vst.msk $0xffff, v1;
	v1 =	vld.idx.msk [tilespmem:v0+s16+$0x440 ss:$0x1], $0xffff  }
0x89: {  	[tilespmem:s18+$0xC60 ss:$0x21] =	vst.msk $0xffff, v2;
	v2 =	vld.idx.msk [tilespmem:v0+s16+$0x450 ss:$0x1], $0xffff  }
0x8a: {  	[tilespmem:s18+$0xE70 ss:$0x21] =	vst.msk $0xffff, v4;
	v4 =	vld.idx.msk [tilespmem:v0+s16+$0x460 ss:$0x1], $0xffff  }
0x8b: {  	[tilespmem:s18+$0x1080 ss:$0x21] =	vst.msk $0xffff, v5;
	v5 =	vld.idx.msk [tilespmem:v0+s16+$0x470 ss:$0x1], $0xffff  }
0x8c: {  	[tilespmem:s18+$0x2100 ss:$0x21] =	vst.msk $0xffff, v7;
	v8 =	vld.idx.msk [tilespmem:v0+s16+$0x810 ss:$0x1], $0xffff  }
0x8d: {  	[tilespmem:s18+$0x1290 ss:$0x21] =	vst.msk $0xffff, v9;
	v9 =	vld.idx.msk [tilespmem:v0+s16+$0x820 ss:$0x1], $0xffff  }
0x8e: {  	[tilespmem:s18+$0x14A0 ss:$0x21] =	vst.msk $0xffff, v6;
	v10 =	vld.idx.msk [tilespmem:v0+s16+$0x830 ss:$0x1], $0xffff  }
0x8f: {  	[tilespmem:s18+$0x16B0 ss:$0x21] =	vst.msk $0xffff, v3;
	v11 =	vld.idx.msk [tilespmem:v0+s16+$0x840 ss:$0x1], $0xffff  }
0x90: {  	[tilespmem:s18+$0x18C0 ss:$0x21] =	vst.msk $0xffff, v1;
	v12 =	vld.idx.msk [tilespmem:v0+s16+$0x850 ss:$0x1], $0xffff  }
0x91: {  	[tilespmem:s18+$0x1AD0 ss:$0x21] =	vst.msk $0xffff, v2;
	v7 =	vld.idx.msk [tilespmem:v0+s16+$0x860 ss:$0x1], $0xffff  }
0x92: {  	[tilespmem:s18+$0x1CE0 ss:$0x21] =	vst.msk $0xffff, v4;
	v6 =	vld.idx.msk [tilespmem:v0+s16+$0x870 ss:$0x1], $0xffff  }
0x93: {  	[tilespmem:s18+$0x1EF0 ss:$0x21] =	vst.msk $0xffff, v5;
	v3 =	vld.idx.msk [tilespmem:v0+s16+$0xC10 ss:$0x1], $0xffff  }
.Ltmp3:
0x94: {  	[tilespmem:s18+$0x2310 ss:$0x21] =	vst.msk $0xffff, v8;
	v1 =	vld.idx.msk [tilespmem:v0+s16+$0xC20 ss:$0x1], $0xffff;
	(pc) =	sbr.rel @p1 .LBB1_3-.Ltmp3, $4  }
0x95: {  	[tilespmem:s18+$0x2520 ss:$0x21] =	vst.msk $0xffff, v9;
	v2 =	vld.idx.msk [tilespmem:v0+s16+$0xC30 ss:$0x1], $0xffff  }
0x96: {  	[tilespmem:s18+$0x2730 ss:$0x21] =	vst.msk $0xffff, v10;
	v4 =	vld.idx.msk [tilespmem:v0+s16+$0xC40 ss:$0x1], $0xffff  }
0x97: {  	s20 =	sadd.s32 $0x80, s20;
	s21 =	sadd.s32 $0x200, s21;
	[tilespmem:s18+$0x2940 ss:$0x21] =	vst.msk $0xffff, v11;
	v5 =	vld.idx.msk [tilespmem:v0+s16+$0xC50 ss:$0x1], $0xffff  }
0x98: {  	s22 =	sadd.s32 $0x4, s22;
	s24 =	sand.u32 $0x380, s20;
	s23 =	sand.u32 $0x3000, s21;
	[tilespmem:s18+$0x2B50 ss:$0x21] =	vst.msk $0xffff, v12;
	v8 =	vld.idx.msk [tilespmem:v0+s16+$0xC60 ss:$0x1], $0xffff  }
.Ltmp4:
0x99: {  	_ = 	snop;
	(pc) =	sbr.rel .LBB1_4-.Ltmp4, $1  }
0x9a: {  	_ =	sdelay $0x3  }
.LBB1_6:
0x9b: {  	_ =	sfence.sel $0x180000  }
0x9c: {  	s2 =	simm.s32 $0x1;
	[bflag:$0x0] =	sbarrier.arrive $0xFFFF  }
0x9d: {  	s31 =	simm.s32 $0x2;
	[sflag:s2] =	ssyncpa.u1 $0x1  }
0x9e: {  	[sflag:s31] =	ssyncpa.u1 $0x1  }
0x9f: {  	p0 =	sne.s32 s0, $0x0;
	_ =	strace $0x90000050  }
0xa0: {  	s0 =	sadd.s32 @!p0 $0x100000, s1;
	[bflag:$0x2] =	sbarrier.arrive $0xFFFF  }
0xa1: {  	[sflag:s0] =	ssyncadd.tile.s32 @!p0 $0x1;
	_ =	shalt  }
.Lfunc_end1:
_tile_overlayer_lowered:
.L_overlay_start_2:
0xa2: {  	(tag) =	ssettag $0x2  }
0xa3: {  	s0 =	rddreg [dreg:$0x0];
	s2 =	stileid.u32  }
0xa4: {  	s1 =	rddreg [dreg:$0x1];
	p0 =	sne.s32 s2, $0x0  }
0xa5: {  	s3 =	rddreg [dreg:$0x2];
	[bflag:$0x3] =	sbarrier.arrive $0xFFFF;
	s2 =	simm.s32 @!p0 $0x1C01  }
0xa6: {  	[timem:s3], [sflag:s2] =	dma.local @!p0 [hbm:s0], s1  }
0xa7: {  	s0 =	simm.s32 @!p0 $0x1  }
0xa8: {  	_ =	swait.ge @!p0 [sflag:s0], s1  }
0xa9: {  	s1 =	ssub.s32 @!p0 $0x0, s1;
	[sflag:s0] =	ssyncset.done @!p0 $0x0  }
0xaa: {  	[sflag:s0] =	ssyncadd.s32 @!p0 s1  }
0xab: {  	[bflag:$0x3] =	sbarrier.arrive $0xFFFF  }
0xac: {  	_ =	shalt  }

// kernel: sparse-core-data-format-call.cloned.1.call-start
scs
called_computation_lowered:
.L_overlay_start_0:
0x0: {  	s2 =	sld [smem:$0x3FD9]  }
0x1: {  	s3 =	sld [smem:$0x3FFE];
	_ =	sdelay $0x1  }
0x2: {  	s1 =	srdreg.scid  }
0x3: {  	s0 =	sand.u32 $0x1, s1  }
0x4: {  	s18 =	sshll.u32 s0, $0xA;
	s2 =	sadd.s32 s3, s2  }
0x5: {  	s2 =	sadd.s32 s2, s18  }
0x6: {  	[smem:$0x3FBE] =	sst s2  }
0x7: {  	_ = 	snop  }
0x8: {  	s2 =	sld [smem:$0x3FD0];
	(tm) =	ssettm $0x1  }
0x9: {  	s19 =	sld [smem:$0x3FFB];
	_ =	sdelay $0x3  }
0xa: {  	_ =	strace s19  }
0xb: {  	s3 =	sld [smem:$0x3FFC];
	_ =	sdelay $0x3  }
0xc: {  	_ =	strace s3  }
0xd: {  	s3 =	sld [smem:$0x3FFD];
	_ =	sdelay $0x3  }
0xe: {  	_ =	strace s3  }
0xf: {  	_ =	strace $0x8FFFFFFF  }
0x10: {  	s20 =	sld [smem:$0x3FDB];
	_ =	sdelay $0x1  }
0x11: {  	s4 =	simm.s32 $_scs_section_size  }
0x12: {  	s5 =	simm.s32 $_size__tile_overlayer_lowered;
	s6 =	simm.s32 $_tile_overlayer_lowered  }
0x13: {  	s23 =	simm.s32 $0x1BFF;
	s22 =	sshll.u32 s6, $0x1;
	s3 =	sadd.s32 s4, s20  }
0x14: {  	s7 =	simm.s32 $0x0;
	s21 =	sshll.u32 s5, $0x1;
	s5 =	sadd.s32 s22, s3  }
0x15: {  	[timem:s7], [sflag:s23] =	dma.local [hbm:s5], s21  }
0x16: {  	_ =	swait.ge [sflag:s23], s21  }
0x17: {  	s4 =	ssub.s32 $0x0, s21;
	[sflag:s23] =	ssyncset.done $0x0  }
0x18: {  	[sflag:s23] =	ssyncadd.s32 s4;
	_ =	sdelay $0x1  }
0x19: {  	s24 =	simm.s32 $0x1B8B  }
0x1a: {  	_ =	swait.ge [sflag:s24], $0x1  }
0x1b: {  	[sflag:s24] =	ssyncset.done $0x0  }
0x1c: {  	s26 =	simm.s32 $0x1B8E;
	s25 =	sld [smem:$0x3FFE];
	[sflag:s24] =	ssyncadd.s32 $0xFFFFFFFF  }
0x1d: {  	s27 =	simm.s32 $execute0_lowered;
	[smem:$0x3FD2] =	sst s26  }
0x1e: {  	s5 =	sshll.u32 s27, $0x1;
	_ =	strace $0x80000052;
	[dreg:$0x1] =	wrdreg $0xFFFFFFFF  }
0x1f: {  	s28 =	simm.s32 $_size_execute0_lowered;
	s3 =	sadd.s32 s3, s5;
	[dreg:$0x0] =	wrdreg $0x0  }
0x20: {  	s5 =	sshll.u32 s28, $0x1;
	[dreg:$0x2] =	wrdreg s3  }
0x21: {  	[dreg:$0x3] =	wrdreg s5  }
0x22: {  	[dreg:$0x4] =	wrdreg $0xC0  }
0x23: {  	_ =	task [dreg:s7], $0x5FFFF  }
0x24: {  	[dreg:$0x1] =	wrdreg $0xFFFFFFFF  }
0x25: {  	[dreg:$0x0] =	wrdreg $0x60  }
0x26: {  	[dreg:$0x2] =	wrdreg s25  }
0x27: {  	[dreg:$0x3] =	wrdreg s2  }
0x28: {  	[dreg:$0x4] =	wrdreg $0x9  }
0x29: {  	_ =	task.clear_ibuf [dreg:s7], $0x5FFFF;
	_ =	strace $0x90000052  }
0x2a: {  	s29 =	simm.s32 $0x9;
	_ =	strace $0x80000054  }
0x2b: {  	_ =	swait.ge [sflag:s29], $0x1  }
0x2c: {  	[sflag:s29] =	ssyncadd.s32 $0xFFFFFFFF  }
0x2d: {  	_ =	strace $0x90000054  }
0x2e: {  	_ =	sfence  }
0x2f: {  	s30 =	sld [smem:$0x0];
	_ =	sdelay $0x2  }
0x30: {  	s31 =	sshll.u32 s1, $0xD;
	s1 =	sshrl.u32 s1, $0x2  }
0x31: {  	s3 =	sand.u32 $0x4000, s31;
	s1 =	sadd.s32 s1, s30  }
0x32: {  	s0 =	sor.u32 s3, s0;
	s1 =	sshll.u32 s1, $0x11  }
0x33: {  	s0 =	sor.u32 s1, s0  }
0x34: {  	s0 =	sadd.s32 $0x8F2B, s0  }
0x35: {  	[sflag:s0] =	ssyncadd.remote.s32 $0x1  }
0x36: {  	_ =	sfence.sel $0xFFFF  }
0x37: {  	[dreg:$0x0] =	wrdreg $0xFFFFFFFF;
	(pc) =	sbr.abs _section_cstart, $3  }
0x38: {  	[dreg:$0x1] =	wrdreg $0xFFFFFFFF  }
0x39: {  	_ =	task.clear_ibuf [dreg:s7], $0x2FFFF;
	_ =	strace $0x9FFFFFFF  }
0x3a: {  	(tm) =	ssettm $0x7FFFFFFF  }
0x3b: {  	_ =	shalt  }
tec
execute0_lowered:
.L_overlay_start_1:
0x0: {  	(tag) =	ssettag $0x1  }
0x1: {  	s0 =	srdreg.scid  }
0x2: {  	s1 =	sshll.u32 s0, $0x4  }
0x3: {  	s6 =	rddreg [dreg:$0x0];
	s0 =	stileid.u32;
	s1 =	sand.u32 $0x10, s1  }
0x4: {  	s3 =	rddreg [dreg:$0x1];
	s1 =	sor.u32 s0, s1  }
0x5: {  	s5 =	simm.s32 $0x1;
	s31 =	simm.s32 $0x2;
	s2 =	sshll.u32 s1, $0x7  }
0x6: {  	s15 =	simm.s32 $0x0;
	s8 =	simm.s32 $0x271000;
	s4 =	ssub.s32 $0x4E200, s2  }
0x7: {  	s14 =	simm.s32 $0x0;
	s9 =	simm.s32 $0x0;
	s30 =	sand.u32 $0xF80, s4  }
0x8: {  	s10 =	simm.s32 $0x0;
	s11 =	simm.s32 $0x0;
	p0 =	sne.s32 s30, $0x0  }
.Ltmp0:
0x9: {  	s7 =	sshrl.u32 s4, $0xC;
	s5 =	simm.s32 @!p0 $0x0;
	(pc) =	sbr.rel .LBB1_1-.Ltmp0, $4  }
0xa: {  	s13 =	simm.s32 $0x0;
	s1 =	rddreg [dreg:$0x2];
	s5 =	sadd.s32 s5, s7  }
0xb: {  	_ =	strace $0x80000053;
	s4 =	simm.s32 $0x1;
	s5 =	smul.u32 $0x3, s5  }
0xc: {  	s6 =	sadd.s32 $0xC40800, s6;
	s12 =	smov.u32 s2;
	[sflag:s4] =	ssyncpa.u1 $0x0  }
0xd: {  	[sflag:s31] =	ssyncpa.u1 $0x0;
	p0 =	por $0x0, $0x0;
	s7 =	sadd.s32 $0x1, s5  }
.LBB1_4:
0xe: {  	s21 =	sshrl.u32 s9, $0x3;
	s22 =	sshll.u32 s10, $0x3  }
0xf: {  	s23 =	sshll.u32 s9, $0x7;
	s20 =	sshra.s32 s20, $0x2;
	s21 =	smul.u32 $0x271000, s21  }
0x10: {  	s28 =	sand.u32 $0x7F, s10;
	p1 =	sgt.s32 s9, $0xB0;
	s22 =	sand.u32 $0xFFFFFC00, s22  }
0x11: {  	s29 =	sshra.s32 s9, $0x1F;
	s27 =	sand.u32 $0x380, s23;
	s21 =	sadd.s32 s22, s21  }
0x12: {  	s24 =	sshra.s32 s10, $0x1F;
	s19 =	sadd.s32 s20, s19;
	s21 =	sor.u32 s27, s21  }
0x13: {  	v5 =	vld [tilespmem:s17+$0xFFFFFFD0];
	s22 =	smulhi.u32 $0xD1B71759, s21;
	s20 =	sor.u32 s28, s21;
	s21 =	smov.u32 s9  }
0x14: {  	[tilespmem:s18+$0x2040 ss:$0x81] =	vst.msk $0xffff, v4;
	v58 =	vld [tilespmem:s17+$0xFFFFFFE0];
	s23 =	sand.u32 s29, s9;
	s24 =	sand.u32 s24, s10;
	s21 =	simm.s32 @!p1 $0xB0  }
0x15: {  	[tilespmem:s18+$0x2850 ss:$0x81] =	vst.msk $0xffff, v3;
	p1 =	sgt.s32 s10, $0x4E180;
	s30 =	smulhi.u32 $0xD1B71759, s20;
	s22 =	sshrl.u32 s22, $0x12  }
0x16: {  	v59 =	vld [tilespmem:s17+$0xFFFFFFF0];
	[tilespmem:s18+$0x3060 ss:$0x81] =	vst.msk $0xffff, v2;
	s21 =	ssub.s32 s21, s23;
	s23 =	smov.u32 s10;
	s25 =	smul.u32 $0x6BCB, s22  }
0x17: {  	v60 =	vld [tilespmem:s17+$0x0];
	[tilespmem:s18+$0x0 ss:$0x81] =	vst.msk $0xffff, v0;
	s23 =	simm.s32 @!p1 $0x4E180;
	s31 =	sadd.s32 $0xFFFFFF50, s21;
	s18 =	sshrl.u32 s30, $0x12  }
0x18: {  	v61 =	vld [tilespmem:s17+$0x10];
	[tilespmem:s19+$0x3870 ss:$0x81] =	vst.msk $0xffff, v1;
	s23 =	ssub.s32 s23, s24;
	s28 =	smul.u32 $0x4E200, s18;
	s25 =	sshrl.u32 s25, $0x17  }
0x19: {  	v62 =	vld [tilespmem:s17+$0x20];
	[tilespmem:s19+$0x810 ss:$0x81] =	vst.msk $0xffff, v5;
	p1 =	sgt.s32 s31, $0x7F;
	s26 =	sadd.s32 $0xFFFB1E80, s23;
	s27 =	smul.u32 $0x130, s25  }
0x1a: {  	v63 =	vld [tilespmem:s17+$0xFFFFFFC0];
	[tilespmem:s19+$0x1020 ss:$0x81] =	vst.msk $0xffff, v58;
	s18 =	ssub.s32 $0x130, s21;
	s21 =	ssub.s32 $0x4E200, s23;
	p2 =	sgt.s32 s26, $0x7F  }
0x1b: {  	[tilespmem:s19+$0x1830 ss:$0x81] =	vst.msk $0xffff, v59;
	s18 =	simm.s32 @p1 $0x0;
	s21 =	simm.s32 @p2 $0x0;
	s22 =	ssub.s32 s22, s27  }
0x1c: {  	[tilespmem:s19+$0x2040 ss:$0x81] =	vst.msk $0xffff, v60;
	s17 =	ssub.s32 s20, s28;
	s18 =	smul.u32 s21, s18;
	s29 =	sand.u32 $0xFFFF, s22  }
0x1d: {  	[tilespmem:s19+$0x2850 ss:$0x81] =	vst.msk $0xffff, v61;
	s30 =	sshrl.u32 s17, $0x3;
	s17 =	sand.u32 $0x7, s17;
	s20 =	smul.u32 $0x9C40, s29  }
0x1e: {  	[tilespmem:s19+$0x3060 ss:$0x81] =	vst.msk $0xffff, v62;
	s21 =	sadd.s32 s3, s30;
	s17 =	sshll.u32 s17, $0x12  }
0x1f: {  	[tilespmem:s19+$0x0 ss:$0x81] =	vst.msk $0xffff, v63;
	s17 =	sor.u32 $0x400, s17;
	s18 =	sand.u32 $0x3FFFFFFF, s18;
	s31 =	sadd.s32 s20, s21  }
0x20: {  	[hbm4b:s31+s17] =	stream.strided.scatter [tilespmem:s16], [sflag:$0x2], s18, s8, s17, $0x20;
	[tilespmem:$0x10100] =	vst v63  }
.LBB1_5:
0x21: {  	p1 =	slt.u32 s13, $0x2  }
0x22: {  	s17 =	smov.u32 s15;
	p2 =	sgt.s32 @!p1 s15, $0xB0;
	s16 =	sshra.s32 @!p1 s15, $0x1F  }
0x23: {  	p3 =	sgt.s32 @!p1 s14, $0x4E180;
	s18 =	sshra.s32 @!p1 s14, $0x1F;
	p2 =	por !p2, p1  }
0x24: {  	s15 =	sand.u32 @!p1 s16, s15;
	p3 =	por !p3, p1;
	s16 =	smov.u32 s14  }
0x25: {  	s14 =	sand.u32 @!p1 s18, s14;
	s17 =	simm.s32 @p2 $0xB0;
	s16 =	simm.s32 @p3 $0x4E180  }
0x26: {  	s15 =	ssub.s32 @!p1 s17, s15;
	s14 =	ssub.s32 @!p1 s16, s14  }
0x27: {  	s18 =	smov.u32 s12;
	s16 =	sadd.s32 @!p1 $0xFFFFFF50, s15;
	s17 =	sadd.s32 @!p1 $0xFFFB1E80, s14  }
0x28: {  	s15 =	ssub.s32 @!p1 $0x130, s15;
	p2 =	sgt.s32 @!p1 s16, $0x7F;
	p3 =	sgt.s32 @!p1 s17, $0x7F  }
0x29: {  	s14 =	ssub.s32 @!p1 $0x4E200, s14;
	p2 =	por !p2, p1;
	p3 =	por !p3, p1  }
0x2a: {  	s16 =	sadd.s32 $0x80, s11;
	s15 =	simm.s32 @!p2 $0x0;
	s14 =	simm.s32 @!p3 $0x0  }
0x2b: {  	p2 =	sgt.s32 s16, $0x12F;
	s14 =	smul.u32 @!p1 s14, s15;
	s15 =	sadd.s32 $0x1000, s12  }
0x2c: {  	s18 =	smov.u32 @p2 s15  }
0x2d: {  	s16 =	simm.s32 @p2 $0x0;
	p2 =	sgt.s32 s18, $0x4E1FF  }
0x2e: {  	s18 =	smov.u32 @p2 s2;
	p2 =	sne.s32 s13, s7  }
.Ltmp1:
0x2f: {  	p0 =	por !p0, !p0;
	s17 =	simm.s32 @!p1 $0x2;
	(pc) =	sbr.rel @!p2 .LBB1_6-.Ltmp1, $4  }
0x30: {  	s15 =	smov.u32 s9;
	s9 =	smov.u32 s11;
	s14 =	sand.u32 @!p1 $0x3FFFFFFF, s14  }
0x31: {  	s11 =	smov.u32 s16;
	_ =	swait.ge @!p1 [sflag:s17], s14;
	s19 =	ssub.s32 @!p1 $0x0, s14  }
0x32: {  	s14 =	smov.u32 s10;
	s13 =	sadd.s32 $0x1, s13;
	[sflag:s17] =	ssyncset.done @!p1 $0x0  }
0x33: {  	s10 =	smov.u32 s12;
	s12 =	smov.u32 s18;
	[sflag:s17] =	ssyncadd.s32 @!p1 s19  }
.LBB1_1:
0x34: {  	p1 =	sge.u32 s13, s5  }
0x35: {  	s16 =	sshrl.u32 @!p1 s12, $0x3  }
0x36: {  	s17 =	sshll.u32 @!p1 s11, $0x3;
	s16 =	smul.u32 @!p1 $0xC00, s16  }
0x37: {  	s18 =	sshll.u32 @!p1 s12, $0x7;
	s17 =	sand.u32 @!p1 $0xFFFFFC00, s17  }
0x38: {  	s16 =	sadd.s32 @!p1 s16, s17;
	s17 =	sand.u32 @!p1 $0x380, s18  }
0x39: {  	s16 =	sor.u32 @!p1 s17, s16  }
0x3a: {  	s17 =	sand.u32 @!p1 $0x7F, s11;
	s18 =	smulhi.u32 @!p1 $0xAAAAAAAB, s16  }
0x3b: {  	s16 =	sor.u32 @!p1 s17, s16  }
0x3c: {  	s17 =	smulhi.u32 @!p1 $0xAAAAAAAB, s16;
	s18 =	sshrl.u32 @!p1 s18, $0x8  }
0x3d: {  	s19 =	smulhi.u32 @!p1 $0x1A36E3, s18  }
0x3e: {  	s17 =	sshrl.u32 @!p1 s17, $0x8  }
0x3f: {  	s17 =	smul.u32 @!p1 $0x180, s17;
	s19 =	sshrl.u32 @!p1 s19, $0x7  }
0x40: {  	s19 =	smul.u32 @!p1 $0x4E200, s19  }
0x41: {  	s31 =	sadd.s32 $0xFFFFFFFF, s13;
	s20 =	sxor.u32 @!p1 $0xFFFFFFFF, s13  }
0x42: {  	s16 =	ssub.s32 @!p1 s16, s17;
	s17 =	sshll.u32 @!p1 s20, $0xE;
	s18 =	ssub.s32 @!p1 s18, s19  }
0x43: {  	s19 =	sshrl.u32 @!p1 s16, $0x3;
	s16 =	sand.u32 @!p1 $0x7, s16;
	s18 =	smul.u32 @!p1 $0x30, s18  }
0x44: {  	s17 =	sand.u32 @!p1 $0x4000, s17;
	s19 =	sadd.s32 @!p1 s6, s19;
	s16 =	sshll.u32 @!p1 s16, $0x12  }
0x45: {  	s16 =	sor.u32 @!p1 $0x400, s16;
	s18 =	sadd.s32 @!p1 s18, s19;
	s19 =	simm.s32 @!p1 $0xC00  }
0x46: {  	[tilespmem:s17], [sflag:$0x1] =	stream.strided.gather @!p1 [hbm4b:s18+s16], $0x4000, s19, s16, $0x38;
	[tilespmem:$0x10100] =	vst v63  }
0x47: {  	p1 =	sge.u32 s31, s5  }
.Ltmp2:
0x48: {  	_ = 	snop;
	(pc) =	sbr.rel @p1 .LBB1_5-.Ltmp2, $1  }
0x49: {  	_ =	sdelay $0x3  }
0x4a: {  	s16 =	simm.s32 $0x1  }
0x4b: {  	_ =	swait.ge [sflag:s4], $0x4000;
	s16 =	simm.s32 @!p0 $0x0  }
0x4c: {  	[sflag:s4] =	ssyncset.done $0x0;
	s17 =	sshll.u32 s16, $0xE  }
0x4d: {  	[sflag:s4] =	ssyncadd.s32 $0xFFFFC000;
	s17 =	sor.u32 $0x40, s17  }
0x4e: {  	s16 =	smul.u32 $0x10200, s16;
	v0 =	vld [tilespmem:s17+$0x30]  }
0x4f: {  	v1 =	vld [tilespmem:s17+$0xFFFFFFD0]  }
0x50: {  	s16 =	sshrl.u32 s16, $0x2;
	v5 =	vld [tilespmem:s17+$0xFFFFFFE0]  }
0x51: {  	v6 =	vld [tilespmem:s17+$0xFFFFFFF0];
	s19 =	sor.u32 $0x8000, s16  }
0x52: {  	s31 =	sand.u32 $0x1, s13;
	v4 =	vld [tilespmem:s17+$0x0];
	s18 =	sadd.s32 $0x0, s19  }
0x53: {  	v3 =	vld [tilespmem:s17+$0x10];
	s16 =	smul.u32 $0x10200, s31;
	[tilespmem:s18+$0x3870 ss:$0x81] =	vst.msk $0xffff, v0  }
0x54: {  	v2 =	vld [tilespmem:s17+$0x20];
	[tilespmem:s18+$0x810 ss:$0x81] =	vst.msk $0xffff, v1  }
0x55: {  	s16 =	sshrl.u32 s16, $0x2;
	v0 =	vld [tilespmem:s17+$0xFFFFFFC0];
	[tilespmem:s18+$0x1020 ss:$0x81] =	vst.msk $0xffff, v5;
	s17 =	sadd.s32 $0x80, s17  }
0x56: {  	s20 =	simm.s32 $0x4;
	s21 =	simm.s32 $0x8;
	s16 =	sor.u32 $0x8000, s16;
	[tilespmem:s18+$0x1830 ss:$0x81] =	vst.msk $0xffff, v6;
	v1 =	vld [tilespmem:s17+$0x30]  }
.LBB1_3:
0x57: {  	p1 =	sne.s32 s21, $0x1FC;
	v5 =	vld [tilespmem:s17+$0xFFFFFFD0];
	[tilespmem:s18+$0x2040 ss:$0x81] =	vst.msk $0xffff, v4  }
0x58: {  	v6 =	vld [tilespmem:s17+$0xFFFFFFE0];
	[tilespmem:s18+$0x2850 ss:$0x81] =	vst.msk $0xffff, v3  }
0x59: {  	s22 =	sshra.s32 s20, $0x2;
	s20 =	smov.u32 s21;
	v7 =	vld [tilespmem:s17+$0xFFFFFFF0];
	[tilespmem:s18+$0x3060 ss:$0x81] =	vst.msk $0xffff, v2  }
.Ltmp3:
0x5a: {  	v4 =	vld [tilespmem:s17+$0x0];
	[tilespmem:s18+$0x0 ss:$0x81] =	vst.msk $0xffff, v0;
	s18 =	sadd.s32 s22, s19;
	(pc) =	sbr.rel @p1 .LBB1_3-.Ltmp3, $4  }
0x5b: {  	v3 =	vld [tilespmem:s17+$0x10];
	[tilespmem:s18+$0x3870 ss:$0x81] =	vst.msk $0xffff, v1  }
0x5c: {  	[tilespmem:s18+$0x810 ss:$0x81] =	vst.msk $0xffff, v5;
	v2 =	vld [tilespmem:s17+$0x20]  }
0x5d: {  	v0 =	vld [tilespmem:s17+$0xFFFFFFC0];
	[tilespmem:s18+$0x1020 ss:$0x81] =	vst.msk $0xffff, v6;
	s17 =	sadd.s32 $0x80, s17  }
0x5e: {  	s21 =	sadd.s32 $0x4, s21;
	v1 =	vld [tilespmem:s17+$0x30];
	[tilespmem:s18+$0x1830 ss:$0x81] =	vst.msk $0xffff, v7  }
.Ltmp4:
0x5f: {  	_ = 	snop;
	(pc) =	sbr.rel .LBB1_4-.Ltmp4, $1  }
0x60: {  	_ =	sdelay $0x3  }
.LBB1_6:
0x61: {  	_ =	sfence.sel $0x180000  }
0x62: {  	s2 =	simm.s32 $0x1;
	[bflag:$0x0] =	sbarrier.arrive $0xFFFF  }
0x63: {  	s31 =	simm.s32 $0x2;
	[sflag:s2] =	ssyncpa.u1 $0x1  }
0x64: {  	[sflag:s31] =	ssyncpa.u1 $0x1  }
0x65: {  	p0 =	sne.s32 s0, $0x0;
	_ =	strace $0x90000053  }
0x66: {  	s0 =	sadd.s32 @!p0 $0x100000, s1;
	[bflag:$0x2] =	sbarrier.arrive $0xFFFF  }
0x67: {  	[sflag:s0] =	ssyncadd.tile.s32 @!p0 $0x1;
	_ =	shalt  }
.Lfunc_end1:
_tile_overlayer_lowered:
.L_overlay_start_2:
0x68: {  	(tag) =	ssettag $0x2  }
0x69: {  	s0 =	rddreg [dreg:$0x0];
	s2 =	stileid.u32  }
0x6a: {  	s1 =	rddreg [dreg:$0x1];
	p0 =	sne.s32 s2, $0x0  }
0x6b: {  	s3 =	rddreg [dreg:$0x2];
	[bflag:$0x3] =	sbarrier.arrive $0xFFFF;
	s2 =	simm.s32 @!p0 $0x1C01  }
0x6c: {  	[timem:s3], [sflag:s2] =	dma.local @!p0 [hbm:s0], s1  }
0x6d: {  	s0 =	simm.s32 @!p0 $0x1  }
0x6e: {  	_ =	swait.ge @!p0 [sflag:s0], s1  }
0x6f: {  	s1 =	ssub.s32 @!p0 $0x0, s1;
	[sflag:s0] =	ssyncset.done @!p0 $0x0  }
0x70: {  	[sflag:s0] =	ssyncadd.s32 @!p0 s1  }
0x71: {  	[bflag:$0x3] =	sbarrier.arrive $0xFFFF  }
0x72: {  	_ =	shalt  }

</sc_bundles>
